<compile_context>
chip_gen: v7x
topology: tpu7x:2x2x1
jax: 0.10.2.dev20260603
libtpu: 0.0.44.dev20260713+nightly
codegen_flags: <defaults>
</compile_context>

<pallas_src>
import functools

import jax
import jax.numpy as jnp
from jax import lax
from jax.experimental import pallas as pl
from jax.experimental.pallas import tpu as pltpu
from jax.experimental.pallas import tpu_sc as plsc

T = 1024
B = 32
NSLOT = 3
F = 512
DV = 128
R = B * NSLOT
NCORE, NSUB = 2, 16
NW = NCORE * NSUB
T_PER_W = T // NW
TB = 16


def _prep_body(x_ref, vel_ref, ctrl_ref, cidx_ref, table2_ref, pe2_ref):
    slot = lax.broadcasted_iota(jnp.int32, (1, R), 1) % NSLOT
    cidx_ref[...] = x_ref[...] + jnp.where(slot == 0, 0, DV)

    vel = vel_ref[...]
    ctrl = ctrl_ref[...]
    vn = jnp.max(jnp.abs(vel), axis=1, keepdims=True)
    cn = jnp.max(jnp.abs(ctrl), axis=1, keepdims=True)
    vscale = jnp.where(vn > 1.0, 1.0 / vn, 1.0)
    cscale = jnp.where(cn > 127.0, 127.0 / cn, 1.0)
    table2_ref[0:DV, :] = vel * (2.0 * vscale)
    table2_ref[DV:2 * DV, :] = ctrl * (2.0 * cscale)

    pos = lax.broadcasted_iota(jnp.int32, (T, F), 0).astype(jnp.float32)
    col = lax.broadcasted_iota(jnp.int32, (T, F), 1)
    colmod = col % 2
    ang = pos * jnp.exp((col - colmod).astype(jnp.float32) * (-4.0 / F))
    pe2_ref[...] = 2.0 * jnp.where(colmod == 0, jnp.sin(ang), jnp.cos(ang))


def _prep(x2, vel_table, ctrl_table):
    return pl.pallas_call(
        _prep_body,
        out_shape=[
            jax.ShapeDtypeStruct((T, R), jnp.int32),
            jax.ShapeDtypeStruct((2 * DV, F), jnp.float32),
            jax.ShapeDtypeStruct((T, F), jnp.float32),
        ],
    )(x2, vel_table, ctrl_table)


def _sc_body(cidx_hbm, table2_hbm, rows_hbm, cidx_v, buf0, buf1,
             gsem0, gsem1):
    cid = lax.axis_index("c")
    sid = lax.axis_index("s")
    wid = cid * NSUB + sid
    t0 = wid * T_PER_W
    buf = (buf0, buf1)
    gsem = (gsem0, gsem1)

    pltpu.sync_copy(cidx_hbm.at[pl.ds(t0 * R, T_PER_W * R)], cidx_v)

    def gather(u, k):
        idx = cidx_v.at[pl.ds(u * R, R)]
        return pltpu.make_async_copy(table2_hbm.at[idx], buf[k], gsem[k])

    gather(0, 0).start()
    gather(1, 1).start()

    def pair(p, carry):
        for k in range(2):
            u = p * 2 + k
            gather(u, k).wait()
            pltpu.sync_copy(buf[k], rows_hbm.at[t0 + u])

            @pl.when(u + 2 < T_PER_W)
            def _():
                gather(u + 2, k).start()
        return carry

    lax.fori_loop(0, T_PER_W // 2, pair, 0)


@functools.cache
def _sc_gather():
    return pl.kernel(
        _sc_body,
        out_type=jax.ShapeDtypeStruct((T, R, F), jnp.float32),
        mesh=plsc.VectorSubcoreMesh(core_axis_name="c", subcore_axis_name="s",
                                    num_cores=NCORE, num_subcores=NSUB),
        scratch_types=[
            pltpu.VMEM((T_PER_W * R,), jnp.int32),
            pltpu.VMEM((R, F), jnp.float32),
            pltpu.VMEM((R, F), jnp.float32),
            pltpu.SemaphoreType.DMA,
            pltpu.SemaphoreType.DMA,
        ],
    )


def _add_body(rows_ref, pe_ref, o_ref):
    r = rows_ref[...]
    p = pe_ref[...]
    y = r + p[:, None, :]
    o_ref[...] = y.reshape(TB, B, NSLOT, F)


def _pe_add(rows3, pe2):
    return pl.pallas_call(
        _add_body,
        grid=(T // TB,),
        in_specs=[
            pl.BlockSpec((TB, R, F), lambda i: (i, 0, 0)),
            pl.BlockSpec((TB, F), lambda i: (i, 0)),
        ],
        out_specs=pl.BlockSpec((TB, B, NSLOT, F), lambda i: (i, 0, 0, 0)),
        out_shape=jax.ShapeDtypeStruct((T, B, NSLOT, F), jnp.float32),
    )(rows3, pe2)


def kernel(x, vel_table, ctrl_table):
    x2 = x.reshape(T, R).astype(jnp.int32)
    cidx, table2, pe2 = _prep(x2, vel_table, ctrl_table)
    rows3 = _sc_gather()(cidx.reshape(T * R), table2)
    return _pe_add(rows3, pe2)

# --- scband reference (transcript-rebuilt; emitter-appended) ---
"""Pipeline reference for scband-full-embedding-2808908612274 (READ-ONLY COPY).

The authoritative reference and input builder live on the scoring server;
editing this copy changes nothing except your own understanding.
"""

import jax, jax.numpy as jnp
import numpy as np

T = 1024   # Setting.TIME_WINDOW_SIZE
B = 32     # batch
NV = 1     # velocity slots (MidiTensor.sliceVelocity width)
NC = 2     # control slots (MidiTensor.sliceControl width)
F = 512    # Setting.FEATURE_SIZE
DV = 128   # EmbeddingSetting.DICTIONARY_VELOCITY
DC = 128   # EmbeddingSetting.DICTIONARY_CONTROL


def _pos_encoder():
    # PositionEmbedding.__init__: sinusoidal PE buffer of shape [T, 1, F]
    position = jnp.arange(T, dtype=jnp.float32)[:, None]
    normaliser = jnp.exp(jnp.arange(0, F, 2, dtype=jnp.float32) * (-4.0 / F))
    ang = position * normaliser  # [T, F//2]
    pe = jnp.zeros((T, F), dtype=jnp.float32)
    pe = pe.at[:, 0::2].set(jnp.sin(ang))
    pe = pe.at[:, 1::2].set(jnp.cos(ang))
    return pe  # [T, F]; torch buffer is [T,1,F], broadcast handled at use site


def _renorm_lookup(table, idx, max_norm):
    # torch.nn.Embedding with max_norm=<m>, norm_type=inf: looked-up rows are
    # renormalized so that their inf-norm does not exceed max_norm.
    emb = jnp.take(table, idx, axis=0)
    norms = jnp.max(jnp.abs(emb), axis=-1, keepdims=True)
    scale = jnp.where(norms > max_norm, max_norm / norms, jnp.ones_like(norms))
    return emb * scale


def setup_inputs(seed: int = 0) -> dict:
    key = jax.random.key(seed)
    k1, k2, k3 = jax.random.split(key, 3)
    x = jax.random.randint(k1, (T, B, NV + NC), 0, DV)  # int token ids, valid for both dicts
    vel_table = jax.random.normal(k2, (DV, F), dtype=jnp.float32)
    ctrl_table = jax.random.normal(k3, (DC, F), dtype=jnp.float32)
    return {"x": x, "vel_table": vel_table, "ctrl_table": ctrl_table}


def reference(x, vel_table, ctrl_table):
    # TimeStepEmbedding.forward
    vel_emb = _renorm_lookup(vel_table, x[:, :, 0:NV], 1.0)       # [T,B,NV,F]
    ctrl_emb = _renorm_lookup(ctrl_table, x[:, :, NV:NV + NC], 127.0)  # [T,B,NC,F]
    tse = jnp.concatenate((vel_emb, ctrl_emb), axis=2)            # [T,B,NV+NC,F]
    # PositionEmbedding.forward mutates its input in-place (x[:, bat] += pe),
    # so after the call time_step_emb == tse + pe as well. Dropouts are identity in eval.
    pe = _pos_encoder()[:, None, None, :]                          # [T,1,1,F]
    pe_added = tse + pe
    pos_emb = pe_added  # Dropout(p) in eval mode is identity
    # FullEmbedding.forward: Zeroing(time_step_emb + pos_emb) with mutated time_step_emb
    return pe_added + pos_emb  # == 2 * (tse + pe)

if __name__ == "__main__":
    import jax
    _d = setup_inputs()
    print(jax.jit(kernel)(*tuple(_d.values())))

</pallas_src>

<mosaic_0001>
#map = affine_map<(d0, d1) -> (0)>
#map1 = affine_map<(d0, d1) -> (0, 0)>
#map2 = affine_map<(d0, d1) -> (0, 0, 0)>
module attributes {stable_mosaic.version = 14 : i64} {
  func.func @_sc_body(%arg0: i32, %arg1: i32, %arg2: memref<98304xi32, #tpu.memory_space<hbm>>, %arg3: memref<256x512xf32, #tpu.memory_space<hbm>>, %arg4: memref<1024x96x512xf32, #tpu.memory_space<hbm>>, %arg5: memref<3072xi32, #tpu.memory_space<vmem>>, %arg6: memref<96x512xf32, #tpu.memory_space<vmem>>, %arg7: memref<96x512xf32, #tpu.memory_space<vmem>>, %arg8: memref<!tpu.dma_semaphore, #tpu.memory_space<semaphore_mem>>, %arg9: memref<!tpu.dma_semaphore, #tpu.memory_space<semaphore_mem>>) attributes {dimension_semantics = [#tpu.dimension_semantics<core_parallel>, #tpu.dimension_semantics<subcore_parallel>], iteration_bounds = array<i64: 2, 16>, scalar_prefetch = 0 : i64, scratch_operands = 5 : i64, tpu.core_type = #tpu.core_type<sc_vector_subcore>, window_params = [{transform_indices = #map}, {transform_indices = #map1}, {transform_indices = #map2}]} {
    %mul3A = arith.constant 16 : i32
    %mul3A_0 = arith.muli %arg0, %mul3A : i32
    %add3A = arith.addi %mul3A_0, %arg1 : i32
    %mul3A_1 = arith.constant 32 : i32
    %mul3A_2 = arith.muli %add3A, %mul3A_1 : i32
    %mul3A_3 = arith.constant 96 : i32
    %mul3A_4 = arith.muli %mul3A_2, %mul3A_3 : i32
    "tpu.region"() ({
      %run_scoped3A = tpu.sem_alloc : memref<!tpu.dma_semaphore, #tpu.memory_space<semaphore_mem>>
      %dma_start3A_19 = tpu.memref_slice %arg2[%mul3A_4] : memref<98304xi32, #tpu.memory_space<hbm>> -> memref<3072xi32, #tpu.memory_space<hbm>>
      %dma_start3A_20 = tpu.memref_slice %arg2[%mul3A_4] : memref<98304xi32, #tpu.memory_space<hbm>> -> memref<3072xi32, #tpu.memory_space<hbm>>
      tpu.enqueue_dma source(%dma_start3A_20 : memref<3072xi32, #tpu.memory_space<hbm>>) target(%arg5 : memref<3072xi32, #tpu.memory_space<vmem>>) target_semaphore(%run_scoped3A : memref<!tpu.dma_semaphore, #tpu.memory_space<semaphore_mem>>)
      %dma_wait3A = tpu.memref_slice %arg2[%mul3A_4] : memref<98304xi32, #tpu.memory_space<hbm>> -> memref<3072xi32, #tpu.memory_space<hbm>>
      %dma_wait3A_21 = tpu.memref_slice %arg2[%mul3A_4] : memref<98304xi32, #tpu.memory_space<hbm>> -> memref<3072xi32, #tpu.memory_space<hbm>>
      tpu.wait_dma2 semaphore(%run_scoped3A : memref<!tpu.dma_semaphore, #tpu.memory_space<semaphore_mem>>) src(%dma_wait3A_21 : memref<3072xi32, #tpu.memory_space<hbm>>) dst(%arg5 : memref<3072xi32, #tpu.memory_space<vmem>>)
      tpu.yield
    }) : () -> ()
    %dma_start3A = arith.constant 0 : i32
    %dma_start3A_5 = tpu.memref_slice %arg5[%dma_start3A] : memref<3072xi32, #tpu.memory_space<vmem>> -> memref<96xi32, #tpu.memory_space<vmem>>
    %dma_start3A_6 = arith.constant 0 : i32
    %dma_start3A_7 = arith.constant 0 : i32
    %dma_start3A_8 = tpu.memref_slice %arg3[%dma_start3A_6, %dma_start3A_7] : memref<256x512xf32, #tpu.memory_space<hbm>> -> memref<256x512xf32, #tpu.memory_space<hbm>>
    tpu.enqueue_indirect_dma source(%dma_start3A_8 : memref<256x512xf32, #tpu.memory_space<hbm>>) target(%arg6 : memref<96x512xf32, #tpu.memory_space<vmem>>) offsets(%dma_start3A_5 : memref<96xi32, #tpu.memory_space<vmem>>) semaphore(%arg8 : memref<!tpu.dma_semaphore, #tpu.memory_space<semaphore_mem>>)
    %dma_start3A_9 = arith.constant 96 : i32
    %dma_start3A_10 = tpu.memref_slice %arg5[%dma_start3A_9] : memref<3072xi32, #tpu.memory_space<vmem>> -> memref<96xi32, #tpu.memory_space<vmem>>
    %dma_start3A_11 = arith.constant 0 : i32
    %dma_start3A_12 = arith.constant 0 : i32
    %dma_start3A_13 = tpu.memref_slice %arg3[%dma_start3A_11, %dma_start3A_12] : memref<256x512xf32, #tpu.memory_space<hbm>> -> memref<256x512xf32, #tpu.memory_space<hbm>>
    tpu.enqueue_indirect_dma source(%dma_start3A_13 : memref<256x512xf32, #tpu.memory_space<hbm>>) target(%arg7 : memref<96x512xf32, #tpu.memory_space<vmem>>) offsets(%dma_start3A_10 : memref<96xi32, #tpu.memory_space<vmem>>) semaphore(%arg9 : memref<!tpu.dma_semaphore, #tpu.memory_space<semaphore_mem>>)
    %scan3A = arith.constant 0 : i32
    %scan3A_14 = arith.constant 0 : i32
    %scan3A_15 = arith.constant 16 : i32
    %scan3A_16 = arith.addi %scan3A_14, %scan3A_15 : i32
    %scan3A_17 = arith.constant 1 : i32
    scf.for %scan3A_19 = %scan3A_14 to %scan3A_16 step %scan3A_17  : i32 {
      %mul3A_20 = arith.constant 2 : i32
      %mul3A_21 = arith.muli %scan3A_19, %mul3A_20 : i32
      %add3A_22 = arith.constant 0 : i32
      %add3A_23 = arith.addi %mul3A_21, %add3A_22 : i32
      %mul3A_24 = arith.constant 96 : i32
      %mul3A_25 = arith.muli %add3A_23, %mul3A_24 : i32
      %dma_wait3A = tpu.memref_slice %arg5[%mul3A_25] : memref<3072xi32, #tpu.memory_space<vmem>> -> memref<96xi32, #tpu.memory_space<vmem>>
      %dma_wait3A_26 = arith.constant 0 : i32
      %dma_wait3A_27 = arith.constant 0 : i32
      %dma_wait3A_28 = tpu.memref_slice %arg3[%dma_wait3A_26, %dma_wait3A_27] : memref<256x512xf32, #tpu.memory_space<hbm>> -> memref<256x512xf32, #tpu.memory_space<hbm>>
      tpu.wait_indirect_dma semaphore(%arg8 : memref<!tpu.dma_semaphore, #tpu.memory_space<semaphore_mem>>) src(%dma_wait3A_28 : memref<256x512xf32, #tpu.memory_space<hbm>>) dst(%arg6 : memref<96x512xf32, #tpu.memory_space<vmem>>)
      %add3A_29 = arith.addi %mul3A_2, %add3A_23 : i32
      "tpu.region"() ({
        %run_scoped3A = tpu.sem_alloc : memref<!tpu.dma_semaphore, #tpu.memory_space<semaphore_mem>>
        %dma_start3A_52 = arith.constant 0 : i32
        %dma_start3A_53 = arith.constant 0 : i32
        %dma_start3A_54 = tpu.memref_slice %arg4[%add3A_29, %dma_start3A_52, %dma_start3A_53] : memref<1024x96x512xf32, #tpu.memory_space<hbm>> -> memref<1x96x512xf32, #tpu.memory_space<hbm>>
        %dma_start3A_55 = tpu.memref_squeeze %dma_start3A_54 : memref<1x96x512xf32, #tpu.memory_space<hbm>> -> memref<96x512xf32, #tpu.memory_space<hbm>>
        %dma_start3A_56 = arith.constant 0 : i32
        %dma_start3A_57 = arith.constant 0 : i32
        %dma_start3A_58 = tpu.memref_slice %arg4[%add3A_29, %dma_start3A_56, %dma_start3A_57] : memref<1024x96x512xf32, #tpu.memory_space<hbm>> -> memref<1x96x512xf32, #tpu.memory_space<hbm>>
        %dma_start3A_59 = tpu.memref_squeeze %dma_start3A_58 : memref<1x96x512xf32, #tpu.memory_space<hbm>> -> memref<96x512xf32, #tpu.memory_space<hbm>>
        tpu.enqueue_dma source(%arg6 : memref<96x512xf32, #tpu.memory_space<vmem>>) target(%dma_start3A_59 : memref<96x512xf32, #tpu.memory_space<hbm>>) target_semaphore(%run_scoped3A : memref<!tpu.dma_semaphore, #tpu.memory_space<semaphore_mem>>)
        %dma_wait3A_60 = arith.constant 0 : i32
        %dma_wait3A_61 = arith.constant 0 : i32
        %dma_wait3A_62 = tpu.memref_slice %arg4[%add3A_29, %dma_wait3A_60, %dma_wait3A_61] : memref<1024x96x512xf32, #tpu.memory_space<hbm>> -> memref<1x96x512xf32, #tpu.memory_space<hbm>>
        %dma_wait3A_63 = tpu.memref_squeeze %dma_wait3A_62 : memref<1x96x512xf32, #tpu.memory_space<hbm>> -> memref<96x512xf32, #tpu.memory_space<hbm>>
        %dma_wait3A_64 = arith.constant 0 : i32
        %dma_wait3A_65 = arith.constant 0 : i32
        %dma_wait3A_66 = tpu.memref_slice %arg4[%add3A_29, %dma_wait3A_64, %dma_wait3A_65] : memref<1024x96x512xf32, #tpu.memory_space<hbm>> -> memref<1x96x512xf32, #tpu.memory_space<hbm>>
        %dma_wait3A_67 = tpu.memref_squeeze %dma_wait3A_66 : memref<1x96x512xf32, #tpu.memory_space<hbm>> -> memref<96x512xf32, #tpu.memory_space<hbm>>
        tpu.wait_dma2 semaphore(%run_scoped3A : memref<!tpu.dma_semaphore, #tpu.memory_space<semaphore_mem>>) src(%arg6 : memref<96x512xf32, #tpu.memory_space<vmem>>) dst(%dma_wait3A_67 : memref<96x512xf32, #tpu.memory_space<hbm>>)
        tpu.yield
      }) : () -> ()
      %add3A_30 = arith.constant 2 : i32
      %add3A_31 = arith.addi %add3A_23, %add3A_30 : i32
      %lt3A = arith.constant 32 : i32
      %lt3A_32 = arith.cmpi slt, %add3A_31, %lt3A : i32
      %convert_element_type3A = arith.extui %lt3A_32 : i1 to i32
      %cond3A = arith.constant 0 : i32
      %cond3A_33 = arith.cmpi ne, %convert_element_type3A, %cond3A : i32
      scf.if %cond3A_33 {
        %add3A_52 = arith.constant 2 : i32
        %add3A_53 = arith.addi %add3A_23, %add3A_52 : i32
        %mul3A_54 = arith.constant 96 : i32
        %mul3A_55 = arith.muli %add3A_53, %mul3A_54 : i32
        %dma_start3A_56 = tpu.memref_slice %arg5[%mul3A_55] : memref<3072xi32, #tpu.memory_space<vmem>> -> memref<96xi32, #tpu.memory_space<vmem>>
        %dma_start3A_57 = arith.constant 0 : i32
        %dma_start3A_58 = arith.constant 0 : i32
        %dma_start3A_59 = tpu.memref_slice %arg3[%dma_start3A_57, %dma_start3A_58] : memref<256x512xf32, #tpu.memory_space<hbm>> -> memref<256x512xf32, #tpu.memory_space<hbm>>
        tpu.enqueue_indirect_dma source(%dma_start3A_59 : memref<256x512xf32, #tpu.memory_space<hbm>>) target(%arg6 : memref<96x512xf32, #tpu.memory_space<vmem>>) offsets(%dma_start3A_56 : memref<96xi32, #tpu.memory_space<vmem>>) semaphore(%arg8 : memref<!tpu.dma_semaphore, #tpu.memory_space<semaphore_mem>>)
      } else {
      }
      %mul3A_34 = arith.constant 2 : i32
      %mul3A_35 = arith.muli %scan3A_19, %mul3A_34 : i32
      %add3A_36 = arith.constant 1 : i32
      %add3A_37 = arith.addi %mul3A_35, %add3A_36 : i32
      %mul3A_38 = arith.constant 96 : i32
      %mul3A_39 = arith.muli %add3A_37, %mul3A_38 : i32
      %dma_wait3A_40 = tpu.memref_slice %arg5[%mul3A_39] : memref<3072xi32, #tpu.memory_space<vmem>> -> memref<96xi32, #tpu.memory_space<vmem>>
      %dma_wait3A_41 = arith.constant 0 : i32
      %dma_wait3A_42 = arith.constant 0 : i32
      %dma_wait3A_43 = tpu.memref_slice %arg3[%dma_wait3A_41, %dma_wait3A_42] : memref<256x512xf32, #tpu.memory_space<hbm>> -> memref<256x512xf32, #tpu.memory_space<hbm>>
      tpu.wait_indirect_dma semaphore(%arg9 : memref<!tpu.dma_semaphore, #tpu.memory_space<semaphore_mem>>) src(%dma_wait3A_43 : memref<256x512xf32, #tpu.memory_space<hbm>>) dst(%arg7 : memref<96x512xf32, #tpu.memory_space<vmem>>)
      %add3A_44 = arith.addi %mul3A_2, %add3A_37 : i32
      "tpu.region"() ({
        %run_scoped3A = tpu.sem_alloc : memref<!tpu.dma_semaphore, #tpu.memory_space<semaphore_mem>>
        %dma_start3A_52 = arith.constant 0 : i32
        %dma_start3A_53 = arith.constant 0 : i32
        %dma_start3A_54 = tpu.memref_slice %arg4[%add3A_44, %dma_start3A_52, %dma_start3A_53] : memref<1024x96x512xf32, #tpu.memory_space<hbm>> -> memref<1x96x512xf32, #tpu.memory_space<hbm>>
        %dma_start3A_55 = tpu.memref_squeeze %dma_start3A_54 : memref<1x96x512xf32, #tpu.memory_space<hbm>> -> memref<96x512xf32, #tpu.memory_space<hbm>>
        %dma_start3A_56 = arith.constant 0 : i32
        %dma_start3A_57 = arith.constant 0 : i32
        %dma_start3A_58 = tpu.memref_slice %arg4[%add3A_44, %dma_start3A_56, %dma_start3A_57] : memref<1024x96x512xf32, #tpu.memory_space<hbm>> -> memref<1x96x512xf32, #tpu.memory_space<hbm>>
        %dma_start3A_59 = tpu.memref_squeeze %dma_start3A_58 : memref<1x96x512xf32, #tpu.memory_space<hbm>> -> memref<96x512xf32, #tpu.memory_space<hbm>>
        tpu.enqueue_dma source(%arg7 : memref<96x512xf32, #tpu.memory_space<vmem>>) target(%dma_start3A_59 : memref<96x512xf32, #tpu.memory_space<hbm>>) target_semaphore(%run_scoped3A : memref<!tpu.dma_semaphore, #tpu.memory_space<semaphore_mem>>)
        %dma_wait3A_60 = arith.constant 0 : i32
        %dma_wait3A_61 = arith.constant 0 : i32
        %dma_wait3A_62 = tpu.memref_slice %arg4[%add3A_44, %dma_wait3A_60, %dma_wait3A_61] : memref<1024x96x512xf32, #tpu.memory_space<hbm>> -> memref<1x96x512xf32, #tpu.memory_space<hbm>>
        %dma_wait3A_63 = tpu.memref_squeeze %dma_wait3A_62 : memref<1x96x512xf32, #tpu.memory_space<hbm>> -> memref<96x512xf32, #tpu.memory_space<hbm>>
        %dma_wait3A_64 = arith.constant 0 : i32
        %dma_wait3A_65 = arith.constant 0 : i32
        %dma_wait3A_66 = tpu.memref_slice %arg4[%add3A_44, %dma_wait3A_64, %dma_wait3A_65] : memref<1024x96x512xf32, #tpu.memory_space<hbm>> -> memref<1x96x512xf32, #tpu.memory_space<hbm>>
        %dma_wait3A_67 = tpu.memref_squeeze %dma_wait3A_66 : memref<1x96x512xf32, #tpu.memory_space<hbm>> -> memref<96x512xf32, #tpu.memory_space<hbm>>
        tpu.wait_dma2 semaphore(%run_scoped3A : memref<!tpu.dma_semaphore, #tpu.memory_space<semaphore_mem>>) src(%arg7 : memref<96x512xf32, #tpu.memory_space<vmem>>) dst(%dma_wait3A_67 : memref<96x512xf32, #tpu.memory_space<hbm>>)
        tpu.yield
      }) : () -> ()
      %add3A_45 = arith.constant 2 : i32
      %add3A_46 = arith.addi %add3A_37, %add3A_45 : i32
      %lt3A_47 = arith.constant 32 : i32
      %lt3A_48 = arith.cmpi slt, %add3A_46, %lt3A_47 : i32
      %convert_element_type3A_49 = arith.extui %lt3A_48 : i1 to i32
      %cond3A_50 = arith.constant 0 : i32
      %cond3A_51 = arith.cmpi ne, %convert_element_type3A_49, %cond3A_50 : i32
      scf.if %cond3A_51 {
        %add3A_52 = arith.constant 2 : i32
        %add3A_53 = arith.addi %add3A_37, %add3A_52 : i32
        %mul3A_54 = arith.constant 96 : i32
        %mul3A_55 = arith.muli %add3A_53, %mul3A_54 : i32
        %dma_start3A_56 = tpu.memref_slice %arg5[%mul3A_55] : memref<3072xi32, #tpu.memory_space<vmem>> -> memref<96xi32, #tpu.memory_space<vmem>>
        %dma_start3A_57 = arith.constant 0 : i32
        %dma_start3A_58 = arith.constant 0 : i32
        %dma_start3A_59 = tpu.memref_slice %arg3[%dma_start3A_57, %dma_start3A_58] : memref<256x512xf32, #tpu.memory_space<hbm>> -> memref<256x512xf32, #tpu.memory_space<hbm>>
        tpu.enqueue_indirect_dma source(%dma_start3A_59 : memref<256x512xf32, #tpu.memory_space<hbm>>) target(%arg7 : memref<96x512xf32, #tpu.memory_space<vmem>>) offsets(%dma_start3A_56 : memref<96xi32, #tpu.memory_space<vmem>>) semaphore(%arg9 : memref<!tpu.dma_semaphore, #tpu.memory_space<semaphore_mem>>)
      } else {
      }
    }
    %scan3A_18 = arith.constant 16 : i32
    return
  }
}

module attributes {stable_mosaic.version = 14 : i64} {
  func.func @_prep_body(%arg0: memref<1024x96xi32, #tpu.memory_space<vmem>>, %arg1: memref<128x512xf32, #tpu.memory_space<vmem>>, %arg2: memref<128x512xf32, #tpu.memory_space<vmem>>, %arg3: memref<1024x96xi32, #tpu.memory_space<vmem>>, %arg4: memref<256x512xf32, #tpu.memory_space<vmem>>, %arg5: memref<1024x512xf32, #tpu.memory_space<vmem>>) attributes {dimension_semantics = [], scalar_prefetch = 0 : i64, scratch_operands = 0 : i64, tpu.core_type = #tpu.core_type<tc>} {
    %iota3A = tpu.iota {dimensions = array<i32: 1>} : vector<1x96xi32>
    %jit3A = arith.constant 3 : i32
    %eq3A = arith.constant 0 : i32
    %eq3A_0 = arith.cmpi eq, %jit3A, %eq3A : i32
    %jit3A_1 = arith.constant 1 : i32
    %select_n3A = arith.select %eq3A_0, %jit3A_1, %jit3A : i32
    %rem3A = vector.broadcast %select_n3A : i32 to vector<1x96xi32>
    %rem3A_2 = arith.remsi %iota3A, %rem3A : vector<1x96xi32>
    %ne3A = arith.constant 0 : i32
    %ne3A_3 = vector.broadcast %ne3A : i32 to vector<1x96xi32>
    %ne3A_4 = arith.cmpi ne, %rem3A_2, %ne3A_3 : vector<1x96xi32>
    %lt3A = arith.constant 0 : i32
    %lt3A_5 = vector.broadcast %lt3A : i32 to vector<1x96xi32>
    %lt3A_6 = arith.cmpi slt, %rem3A_2, %lt3A_5 : vector<1x96xi32>
    %lt3A_7 = arith.constant 0 : i32
    %lt3A_8 = arith.cmpi slt, %select_n3A, %lt3A_7 : i32
    %ne3A_9 = vector.broadcast %lt3A_8 : i1 to vector<1x96xi1>
    %ne3A_10 = vector.broadcast %ne3A_9 : vector<1x96xi1> to vector<1x96xi1>
    %ne3A_11 = arith.xori %lt3A_6, %ne3A_10 : vector<1x96xi1>
    %and3A = arith.andi %ne3A_11, %ne3A_4 : vector<1x96xi1>
    %add3A = vector.broadcast %select_n3A : i32 to vector<1x96xi32>
    %add3A_12 = arith.addi %rem3A_2, %add3A : vector<1x96xi32>
    %select_n3A_13 = arith.select %and3A, %add3A_12, %rem3A_2 : vector<1x96xi1>, vector<1x96xi32>
    %get3A = arith.constant 0 : index
    %get3A_14 = arith.constant 0 : index
    %get3A_15 = vector.load %arg0[%get3A, %get3A_14] : memref<1024x96xi32, #tpu.memory_space<vmem>>, vector<1024x96xi32>
    %eq3A_16 = arith.constant 0 : i32
    %eq3A_17 = vector.broadcast %eq3A_16 : i32 to vector<1x96xi32>
    %eq3A_18 = arith.cmpi eq, %select_n3A_13, %eq3A_17 : vector<1x96xi32>
    %jit3A_19 = arith.constant 0 : i32
    %jit3A_20 = arith.constant 128 : i32
    %broadcast_in_dim3A = vector.broadcast %jit3A_19 : i32 to vector<1x96xi32>
    %broadcast_in_dim3A_21 = vector.broadcast %jit3A_20 : i32 to vector<1x96xi32>
    %select_n3A_22 = arith.select %eq3A_18, %broadcast_in_dim3A, %broadcast_in_dim3A_21 : vector<1x96xi1>, vector<1x96xi32>
    %add3A_23 = vector.broadcast %select_n3A_22 : vector<1x96xi32> to vector<1024x96xi32>
    %add3A_24 = arith.addi %get3A_15, %add3A_23 : vector<1024x96xi32>
    %swap3A = arith.constant 0 : index
    %swap3A_25 = arith.constant 0 : index
    %swap3A_26 = vector.load %arg3[%swap3A, %swap3A_25] : memref<1024x96xi32, #tpu.memory_space<vmem>>, vector<1024x96xi32>
    tpu.vector_store %arg3[%swap3A, %swap3A_25], %add3A_24 {strides = array<i32>} : memref<1024x96xi32, #tpu.memory_space<vmem>>, vector<1024x96xi32>,
    %get3A_27 = arith.constant 0 : index
    %get3A_28 = arith.constant 0 : index
    %get3A_29 = vector.load %arg1[%get3A_27, %get3A_28] : memref<128x512xf32, #tpu.memory_space<vmem>>, vector<128x512xf32>
    %get3A_30 = arith.constant 0 : index
    %get3A_31 = arith.constant 0 : index
    %get3A_32 = vector.load %arg2[%get3A_30, %get3A_31] : memref<128x512xf32, #tpu.memory_space<vmem>>, vector<128x512xf32>
    %abs3A = math.absf %get3A_29 : vector<128x512xf32>
    %reduce_max3A = arith.constant dense<0xFF800000> : vector<128xf32>
    %reduce_max3A_33 = vector.multi_reduction <maximumf>, %abs3A, %reduce_max3A [1] : vector<128x512xf32> to vector<128xf32>
    %broadcast_in_dim3A_34 = vector.shape_cast %reduce_max3A_33 : vector<128xf32> to vector<128x1xf32>
    %abs3A_35 = math.absf %get3A_32 : vector<128x512xf32>
    %reduce_max3A_36 = arith.constant dense<0xFF800000> : vector<128xf32>
    %reduce_max3A_37 = vector.multi_reduction <maximumf>, %abs3A_35, %reduce_max3A_36 [1] : vector<128x512xf32> to vector<128xf32>
    %broadcast_in_dim3A_38 = vector.shape_cast %reduce_max3A_37 : vector<128xf32> to vector<128x1xf32>
    %gt3A = arith.constant 1.000000e+00 : f32
    %gt3A_39 = vector.broadcast %gt3A : f32 to vector<128x1xf32>
    %gt3A_40 = arith.cmpf ogt, %broadcast_in_dim3A_34, %gt3A_39 : vector<128x1xf32>
    %div3A = arith.constant 1.000000e+00 : f32
    %div3A_41 = vector.broadcast %div3A : f32 to vector<128x1xf32>
    %div3A_42 = arith.divf %div3A_41, %broadcast_in_dim3A_34 : vector<128x1xf32>
    %jit3A_43 = arith.constant 1.000000e+00 : f32
    %broadcast_in_dim3A_44 = vector.broadcast %jit3A_43 : f32 to vector<128x1xf32>
    %select_n3A_45 = arith.select %gt3A_40, %div3A_42, %broadcast_in_dim3A_44 : vector<128x1xi1>, vector<128x1xf32>
    %gt3A_46 = arith.constant 1.270000e+02 : f32
    %gt3A_47 = vector.broadcast %gt3A_46 : f32 to vector<128x1xf32>
    %gt3A_48 = arith.cmpf ogt, %broadcast_in_dim3A_38, %gt3A_47 : vector<128x1xf32>
    %div3A_49 = arith.constant 1.270000e+02 : f32
    %div3A_50 = vector.broadcast %div3A_49 : f32 to vector<128x1xf32>
    %div3A_51 = arith.divf %div3A_50, %broadcast_in_dim3A_38 : vector<128x1xf32>
    %jit3A_52 = arith.constant 1.000000e+00 : f32
    %broadcast_in_dim3A_53 = vector.broadcast %jit3A_52 : f32 to vector<128x1xf32>
    %select_n3A_54 = arith.select %gt3A_48, %div3A_51, %broadcast_in_dim3A_53 : vector<128x1xi1>, vector<128x1xf32>
    %mul3A = arith.constant 2.000000e+00 : f32
    %mul3A_55 = vector.broadcast %mul3A : f32 to vector<128x1xf32>
    %mul3A_56 = arith.mulf %mul3A_55, %select_n3A_45 : vector<128x1xf32>
    %mul3A_57 = vector.broadcast %mul3A_56 : vector<128x1xf32> to vector<128x512xf32>
    %mul3A_58 = arith.mulf %get3A_29, %mul3A_57 : vector<128x512xf32>
    %swap3A_59 = arith.constant 0 : index
    %swap3A_60 = arith.constant 0 : index
    %swap3A_61 = vector.load %arg4[%swap3A_59, %swap3A_60] : memref<256x512xf32, #tpu.memory_space<vmem>>, vector<128x512xf32>
    tpu.vector_store %arg4[%swap3A_59, %swap3A_60], %mul3A_58 {strides = array<i32>} : memref<256x512xf32, #tpu.memory_space<vmem>>, vector<128x512xf32>,
    %mul3A_62 = arith.constant 2.000000e+00 : f32
    %mul3A_63 = vector.broadcast %mul3A_62 : f32 to vector<128x1xf32>
    %mul3A_64 = arith.mulf %mul3A_63, %select_n3A_54 : vector<128x1xf32>
    %mul3A_65 = vector.broadcast %mul3A_64 : vector<128x1xf32> to vector<128x512xf32>
    %mul3A_66 = arith.mulf %get3A_32, %mul3A_65 : vector<128x512xf32>
    %swap3A_67 = arith.constant 128 : index
    %swap3A_68 = arith.constant 0 : index
    %swap3A_69 = vector.load %arg4[%swap3A_67, %swap3A_68] : memref<256x512xf32, #tpu.memory_space<vmem>>, vector<128x512xf32>
    tpu.vector_store %arg4[%swap3A_67, %swap3A_68], %mul3A_66 {strides = array<i32>} : memref<256x512xf32, #tpu.memory_space<vmem>>, vector<128x512xf32>,
    %iota3A_70 = tpu.iota {dimensions = array<i32: 0>} : vector<1024x512xi32>
    %convert_element_type3A = arith.sitofp %iota3A_70 : vector<1024x512xi32> to vector<1024x512xf32>
    %iota3A_71 = tpu.iota {dimensions = array<i32: 1>} : vector<1024x512xi32>
    %jit3A_72 = arith.constant 2 : i32
    %eq3A_73 = arith.constant 0 : i32
    %eq3A_74 = arith.cmpi eq, %jit3A_72, %eq3A_73 : i32
    %jit3A_75 = arith.constant 1 : i32
    %select_n3A_76 = arith.select %eq3A_74, %jit3A_75, %jit3A_72 : i32
    %rem3A_77 = vector.broadcast %select_n3A_76 : i32 to vector<1024x512xi32>
    %rem3A_78 = arith.remsi %iota3A_71, %rem3A_77 : vector<1024x512xi32>
    %ne3A_79 = arith.constant 0 : i32
    %ne3A_80 = vector.broadcast %ne3A_79 : i32 to vector<1024x512xi32>
    %ne3A_81 = arith.cmpi ne, %rem3A_78, %ne3A_80 : vector<1024x512xi32>
    %lt3A_82 = arith.constant 0 : i32
    %lt3A_83 = vector.broadcast %lt3A_82 : i32 to vector<1024x512xi32>
    %lt3A_84 = arith.cmpi slt, %rem3A_78, %lt3A_83 : vector<1024x512xi32>
    %lt3A_85 = arith.constant 0 : i32
    %lt3A_86 = arith.cmpi slt, %select_n3A_76, %lt3A_85 : i32
    %ne3A_87 = vector.broadcast %lt3A_86 : i1 to vector<1024x512xi1>
    %ne3A_88 = vector.broadcast %ne3A_87 : vector<1024x512xi1> to vector<1024x512xi1>
    %ne3A_89 = arith.xori %lt3A_84, %ne3A_88 : vector<1024x512xi1>
    %and3A_90 = arith.andi %ne3A_89, %ne3A_81 : vector<1024x512xi1>
    %add3A_91 = vector.broadcast %select_n3A_76 : i32 to vector<1024x512xi32>
    %add3A_92 = arith.addi %rem3A_78, %add3A_91 : vector<1024x512xi32>
    %select_n3A_93 = arith.select %and3A_90, %add3A_92, %rem3A_78 : vector<1024x512xi1>, vector<1024x512xi32>
    %sub3A = arith.subi %iota3A_71, %select_n3A_93 : vector<1024x512xi32>
    %convert_element_type3A_94 = arith.sitofp %sub3A : vector<1024x512xi32> to vector<1024x512xf32>
    %mul3A_95 = arith.constant -7.812500e-03 : f32
    %mul3A_96 = vector.broadcast %mul3A_95 : f32 to vector<1024x512xf32>
    %mul3A_97 = arith.mulf %convert_element_type3A_94, %mul3A_96 : vector<1024x512xf32>
    %exp3A = math.exp %mul3A_97 : vector<1024x512xf32>
    %mul3A_98 = arith.mulf %convert_element_type3A, %exp3A : vector<1024x512xf32>
    %eq3A_99 = arith.constant 0 : i32
    %eq3A_100 = vector.broadcast %eq3A_99 : i32 to vector<1024x512xi32>
    %eq3A_101 = arith.cmpi eq, %select_n3A_93, %eq3A_100 : vector<1024x512xi32>
    %sin3A = math.sin %mul3A_98 : vector<1024x512xf32>
    %cos3A = math.cos %mul3A_98 : vector<1024x512xf32>
    %select_n3A_102 = arith.select %eq3A_101, %sin3A, %cos3A : vector<1024x512xi1>, vector<1024x512xf32>
    %mul3A_103 = arith.constant 2.000000e+00 : f32
    %mul3A_104 = vector.broadcast %mul3A_103 : f32 to vector<1024x512xf32>
    %mul3A_105 = arith.mulf %mul3A_104, %select_n3A_102 : vector<1024x512xf32>
    %swap3A_106 = arith.constant 0 : index
    %swap3A_107 = arith.constant 0 : index
    %swap3A_108 = vector.load %arg5[%swap3A_106, %swap3A_107] : memref<1024x512xf32, #tpu.memory_space<vmem>>, vector<1024x512xf32>
    tpu.vector_store %arg5[%swap3A_106, %swap3A_107], %mul3A_105 {strides = array<i32>} : memref<1024x512xf32, #tpu.memory_space<vmem>>, vector<1024x512xf32>,
    return
  }
}

module attributes {stable_mosaic.version = 14 : i64} {
  func.func @_add_body(%arg0: i32, %arg1: memref<16x96x512xf32, #tpu.memory_space<vmem>>, %arg2: memref<16x512xf32, #tpu.memory_space<vmem>>, %arg3: memref<16x32x3x512xf32, #tpu.memory_space<vmem>>) attributes {dimension_semantics = [#tpu.dimension_semantics<arbitrary>], iteration_bounds = array<i64: 64>, scalar_prefetch = 0 : i64, scratch_operands = 0 : i64, tpu.core_type = #tpu.core_type<tc>, window_params = [{transform_indices = @transform_0, window_bounds = array<i64: 16, 96, 512>}, {transform_indices = @transform_1, window_bounds = array<i64: 16, 512>}, {transform_indices = @transform_2, window_bounds = array<i64: 16, 32, 3, 512>}]} {
    %get3A = arith.constant 0 : index
    %get3A_0 = arith.constant 0 : index
    %get3A_1 = arith.constant 0 : index
    %get3A_2 = vector.load %arg1[%get3A, %get3A_0, %get3A_1] : memref<16x96x512xf32, #tpu.memory_space<vmem>>, vector<16x96x512xf32>
    %get3A_3 = arith.constant 0 : index
    %get3A_4 = arith.constant 0 : index
    %get3A_5 = vector.load %arg2[%get3A_3, %get3A_4] : memref<16x512xf32, #tpu.memory_space<vmem>>, vector<16x512xf32>
    %broadcast_in_dim3A = vector.shape_cast %get3A_5 : vector<16x512xf32> to vector<16x1x512xf32>
    %add3A = vector.broadcast %broadcast_in_dim3A : vector<16x1x512xf32> to vector<16x96x512xf32>
    %add3A_6 = arith.addf %get3A_2, %add3A : vector<16x96x512xf32>
    %reshape3A = vector.shape_cast %add3A_6 : vector<16x96x512xf32> to vector<16x32x3x512xf32>
    %swap3A = arith.constant 0 : index
    %swap3A_7 = arith.constant 0 : index
    %swap3A_8 = arith.constant 0 : index
    %swap3A_9 = arith.constant 0 : index
    %swap3A_10 = vector.load %arg3[%swap3A, %swap3A_7, %swap3A_8, %swap3A_9] : memref<16x32x3x512xf32, #tpu.memory_space<vmem>>, vector<16x32x3x512xf32>
    tpu.vector_store %arg3[%swap3A, %swap3A_7, %swap3A_8, %swap3A_9], %reshape3A {strides = array<i32>} : memref<16x32x3x512xf32, #tpu.memory_space<vmem>>, vector<16x32x3x512xf32>,
    return
  }
  func.func @transform_0(%arg0: i32) -> (i32, i32, i32) {
    %c0_i32 = arith.constant 0 : i32
    %c0_i32_0 = arith.constant 0 : i32
    %c0_i32_1 = arith.constant 0 : i32
    return %arg0, %c0_i32, %c0_i32_0 : i32, i32, i32
  }
  func.func @transform_1(%arg0: i32) -> (i32, i32) {
    %c0_i32 = arith.constant 0 : i32
    %c0_i32_0 = arith.constant 0 : i32
    return %arg0, %c0_i32 : i32, i32
  }
  func.func @transform_2(%arg0: i32) -> (i32, i32, i32, i32) {
    %c0_i32 = arith.constant 0 : i32
    %c0_i32_0 = arith.constant 0 : i32
    %c0_i32_1 = arith.constant 0 : i32
    %c0_i32_2 = arith.constant 0 : i32
    return %arg0, %c0_i32, %c0_i32_0, %c0_i32_1 : i32, i32, i32, i32
  }
}

</mosaic_0001>

<sc_bundles>
// kernel: kernel.5.cloned.1.call-start
scs
__scs_entry_jumppad:
0x0: {  	(pc) =	sbr.rel $0x88, $3  }
0x1: {  	(tag) =	ssettag $0x0;
	lr =	simm.s32 $0x1  }
0x2: {  	[smem:$0x3F9E] =	sst lr;
	_ =	strace $0xD0000000  }
0x3: {  	_ = 	snop  }
0x4: {  	_ = 	snop  }
0x5: {  	_ = 	snop  }
0x6: {  	_ = 	snop  }
0x7: {  	_ = 	snop  }
__scs_overlays_trampoline_lowered:
0x8: {  	[smem:$0x3FAD] =	sst s0  }
0x9: {  	[smem:$0x3FAE] =	sst s1  }
0xa: {  	[smem:$0x3FAF] =	sst s2  }
0xb: {  	[smem:$0x3FB0] =	sst s3  }
0xc: {  	[smem:$0x3FB1] =	sst s4  }
0xd: {  	[smem:$0x3FB2] =	sst s5  }
0xe: {  	[smem:$0x3FB3] =	sst s6  }
0xf: {  	[smem:$0x3FB4] =	sst s7  }
0x10: {  	[smem:$0x3FB5] =	sst s8  }
0x11: {  	[smem:$0x3FB6] =	sst s9;
	s0 =	simm.s32 @!p0 $0x0  }
0x12: {  	s1 =	sld [smem:$0x3F9C];
	s0 =	simm.s32 @p0 $0x1  }
0x13: {  	[smem:$0x3FB7] =	sst s0;
	s0 =	simm.s32 @!p1 $0x0  }
0x14: {  	s2 =	sld [smem:$0x3F9B];
	s0 =	simm.s32 @p1 $0x1  }
0x15: {  	[smem:$0x3FB8] =	sst s0;
	s0 =	simm.s32 @!p2 $0x0  }
0x16: {  	s3 =	sld [smem:$0x3FDB];
	s0 =	simm.s32 @p2 $0x1  }
0x17: {  	s4 =	simm.s32 $0x1BF5;
	[smem:$0x3FBA] =	sst s0  }
0x18: {  	s0 =	sld [smem:$0x3F9D];
	_ =	swait.ge [sflag:s4], $0x0  }
0x19: {  	s7 =	sld [smem:$0x3F9E]  }
0x1a: {  	s8 =	sadd.s32 $0xFFFFE003, lr  }
0x1b: {  	s9 =	sadd.s32 $0xFFFFFEF7, lr;
	s5 =	simm.s32 $0xFFFFFFFF;
	p2 =	slt.u32 s8, $0xFFFFF086  }
0x1c: {  	p1 =	slt.u32 s9, $0xF7A;
	s5 =	simm.s32 @!p2 $0x0  }
0x1d: {  	s5 =	simm.s32 @p1 $0x1;
	p0 =	seq.s32 s7, s2  }
0x1e: {  	s7 =	smul.u32 @!p0 $0xF7A, s2;
	p2 =	seq.s32 @!p0 s5, $0x0  }
0x1f: {  	s9 =	smul.u32 $0xF7A, s1;
	s8 =	simm.s32 @!p0 $0x1BF5;
	p2 =	por !p2, p0  }
0x20: {  	[sflag:s8] =	ssyncset.s32 @!p0 $0xFFFFF086;
	s6 =	sadd.s32 @!p0 s3, s7;
	s7 =	simm.s32 @!p0 $0x108  }
0x21: {  	s3 =	sadd.s32 s3, s9;
	s6 =	sadd.s32 @!p0 $0x88, s6;
	s7 =	simm.s32 @p2 $0x1082  }
0x22: {  	[simem:s7], [sflag:s8] =	dma.local @!p0 [hbm:s6], $0xF7A  }
0x23: {  	s9 =	sor.u32 $0xD0000000, s2;
	s6 =	simm.s32 $0x108;
	_ =	swait.ge @!p0 [sflag:s8], $0x0  }
0x24: {  	s3 =	sadd.s32 $0x88, s3;
	s6 =	simm.s32 @!p1 $0x1082;
	[sflag:s4] =	ssyncset.s32 $0xFFFFF086  }
0x25: {  	[simem:s6], [sflag:s4] =	dma.local [hbm:s3], $0xF7A  }
0x26: {  	[smem:$0x3F9E] =	sst s1;
	(tag) =	ssettag s2;
	_ =	strace s9  }
0x27: {  	s1 =	sld [smem:$0x3FAE]  }
0x28: {  	s2 =	sld [smem:$0x3FAF]  }
0x29: {  	s4 =	sld [smem:$0x3FB1]  }
0x2a: {  	p0 =	seq.s32 s5, $0x0;
	s5 =	sld [smem:$0x3FB2]  }
0x2b: {  	s6 =	sld [smem:$0x3FB3]  }
0x2c: {  	s7 =	sld [smem:$0x3FB4]  }
0x2d: {  	s3 =	simm.s32 $0x108;
	s8 =	sld [smem:$0x3FB5]  }
0x2e: {  	s3 =	simm.s32 @!p0 $0x1082;
	s9 =	sld [smem:$0x3FB6]  }
0x2f: {  	lr =	sadd.s32 s0, s3;
	s0 =	sld [smem:$0x3FAD]  }
0x30: {  	s3 =	sld [smem:$0x3FB0]  }
0x31: {  	[smem:$0x3FB9] =	sst s10  }
0x32: {  	s10 =	sld [smem:$0x3FB7];
	_ =	sdelay $0x3  }
0x33: {  	p0 =	seq.s32 s10, $0x1;
	s10 =	sld [smem:$0x3FB9];
	_ =	sdelay $0x3  }
0x34: {  	[smem:$0x3FB9] =	sst s10  }
0x35: {  	s10 =	sld [smem:$0x3FB8];
	_ =	sdelay $0x3  }
0x36: {  	p1 =	seq.s32 s10, $0x1;
	s10 =	sld [smem:$0x3FB9];
	_ =	sdelay $0x3  }
0x37: {  	[smem:$0x3FB9] =	sst s10  }
0x38: {  	s10 =	sld [smem:$0x3FBA]  }
0x39: {  	_ = 	snop;
	(pc) =	sbr.ind lr, $3  }
0x3a: {  	_ = 	snop  }
0x3b: {  	_ = 	snop  }
0x3c: {  	p2 =	seq.s32 s10, $0x1;
	s10 =	sld [smem:$0x3FB9]  }
0x3d: {  	_ =	shalt  }
0x3e: {  	_ =	shalt  }
0x3f: {  	_ =	shalt  }
0x40: {  	_ =	shalt  }
0x41: {  	_ =	shalt  }
0x42: {  	_ =	shalt  }
0x43: {  	_ =	shalt  }
0x44: {  	_ =	shalt  }
0x45: {  	_ =	shalt  }
0x46: {  	_ =	shalt  }
0x47: {  	_ =	shalt  }
0x48: {  	_ =	shalt  }
0x49: {  	_ =	shalt  }
0x4a: {  	_ =	shalt  }
0x4b: {  	_ =	shalt  }
0x4c: {  	_ =	shalt  }
0x4d: {  	_ =	shalt  }
0x4e: {  	_ =	shalt  }
0x4f: {  	_ =	shalt  }
0x50: {  	_ =	shalt  }
0x51: {  	_ =	shalt  }
0x52: {  	_ =	shalt  }
0x53: {  	_ =	shalt  }
0x54: {  	_ =	shalt  }
0x55: {  	_ =	shalt  }
0x56: {  	_ =	shalt  }
0x57: {  	_ =	shalt  }
0x58: {  	_ =	shalt  }
0x59: {  	_ =	shalt  }
0x5a: {  	_ =	shalt  }
0x5b: {  	_ =	shalt  }
0x5c: {  	_ =	shalt  }
0x5d: {  	_ =	shalt  }
0x5e: {  	_ =	shalt  }
0x5f: {  	_ =	shalt  }
0x60: {  	_ =	shalt  }
0x61: {  	_ =	shalt  }
0x62: {  	_ =	shalt  }
0x63: {  	_ =	shalt  }
0x64: {  	_ =	shalt  }
0x65: {  	_ =	shalt  }
0x66: {  	_ =	shalt  }
0x67: {  	_ =	shalt  }
0x68: {  	_ =	shalt  }
0x69: {  	_ =	shalt  }
0x6a: {  	_ =	shalt  }
0x6b: {  	_ =	shalt  }
0x6c: {  	_ =	shalt  }
0x6d: {  	_ =	shalt  }
0x6e: {  	_ =	shalt  }
0x6f: {  	_ =	shalt  }
0x70: {  	_ =	shalt  }
0x71: {  	_ =	shalt  }
0x72: {  	_ =	shalt  }
0x73: {  	_ =	shalt  }
0x74: {  	_ =	shalt  }
0x75: {  	_ =	shalt  }
0x76: {  	_ =	shalt  }
0x77: {  	_ =	shalt  }
0x78: {  	_ =	shalt  }
0x79: {  	_ =	shalt  }
0x7a: {  	_ =	shalt  }
0x7b: {  	_ =	shalt  }
0x7c: {  	_ =	shalt  }
0x7d: {  	_ =	shalt  }
0x7e: {  	_ =	shalt  }
0x7f: {  	_ =	shalt  }
0x80: {  	_ =	shalt  }
0x81: {  	_ =	shalt  }
0x82: {  	_ =	shalt  }
0x83: {  	_ =	shalt  }
0x84: {  	_ =	shalt  }
0x85: {  	_ =	shalt  }
0x86: {  	_ =	shalt  }
0x87: {  	_ =	shalt  }
.Lfunc_end0:
.L_simem_size_0:
called_computation_lowered:
.L_overlay_start_0:
0x88: {  	s2 =	sld [smem:$0x3FD9]  }
0x89: {  	s3 =	sld [smem:$0x3FFE];
	_ =	sdelay $0x1  }
0x8a: {  	s1 =	srdreg.scid  }
0x8b: {  	s0 =	sand.u32 $0x1, s1  }
0x8c: {  	s17 =	sshll.u32 s0, $0xA;
	s2 =	sadd.s32 s3, s2  }
0x8d: {  	s2 =	sadd.s32 s2, s17  }
0x8e: {  	[smem:$0x3FC5] =	sst s2  }
0x8f: {  	_ = 	snop  }
0x90: {  	s2 =	sld [smem:$0x3FD0];
	(tm) =	ssettm $0x1  }
0x91: {  	s18 =	sld [smem:$0x3FFB];
	_ =	sdelay $0x3  }
0x92: {  	_ =	strace s18  }
0x93: {  	s3 =	sld [smem:$0x3FFC];
	_ =	sdelay $0x3  }
0x94: {  	_ =	strace s3  }
0x95: {  	s3 =	sld [smem:$0x3FFD];
	_ =	sdelay $0x3  }
0x96: {  	_ =	strace s3  }
0x97: {  	_ =	strace $0x8FFFFFFF  }
0x98: {  	s19 =	sld [smem:$0x3FDB];
	_ =	sdelay $0x1  }
0x99: {  	s4 =	simm.s32 $_scs_section_size  }
0x9a: {  	s5 =	simm.s32 $_size__tile_overlayer_lowered;
	s6 =	simm.s32 $_tile_overlayer_lowered  }
0x9b: {  	s22 =	simm.s32 $0x1BFF;
	s21 =	sshll.u32 s6, $0x1;
	s3 =	sadd.s32 s4, s19  }
0x9c: {  	s7 =	simm.s32 $0x0;
	s20 =	sshll.u32 s5, $0x1;
	s5 =	sadd.s32 s21, s3  }
0x9d: {  	[timem:s7], [sflag:s22] =	dma.local [hbm:s5], s20  }
0x9e: {  	_ =	swait.ge [sflag:s22], s20  }
0x9f: {  	s4 =	ssub.s32 $0x0, s20;
	[sflag:s22] =	ssyncset.done $0x0  }
0xa0: {  	[sflag:s22] =	ssyncadd.s32 s4;
	_ =	sdelay $0x1  }
0xa1: {  	s23 =	simm.s32 $0x1B8B  }
0xa2: {  	_ =	swait.ge [sflag:s23], $0x1  }
0xa3: {  	[sflag:s23] =	ssyncset.done $0x0  }
0xa4: {  	s25 =	simm.s32 $0x1B8E;
	s24 =	sld [smem:$0x3FFE];
	[sflag:s23] =	ssyncadd.s32 $0xFFFFFFFF  }
0xa5: {  	s26 =	simm.s32 $execute0_lowered;
	[smem:$0x3FD2] =	sst s25  }
0xa6: {  	s5 =	sshll.u32 s26, $0x1;
	_ =	strace $0x80000046;
	[dreg:$0x1] =	wrdreg $0xFFFFFFFF  }
0xa7: {  	s28 =	simm.s32 $_size_execute0_lowered;
	s3 =	sadd.s32 s3, s5;
	[dreg:$0x0] =	wrdreg $0x0  }
0xa8: {  	s5 =	sshll.u32 s28, $0x1;
	[dreg:$0x2] =	wrdreg s3  }
0xa9: {  	[dreg:$0x3] =	wrdreg s5  }
0xaa: {  	[dreg:$0x4] =	wrdreg $0xC0  }
0xab: {  	_ =	task [dreg:s7], $0x5FFFF  }
0xac: {  	[dreg:$0x1] =	wrdreg $0xFFFFFFFF  }
0xad: {  	[dreg:$0x0] =	wrdreg $0x60  }
0xae: {  	[dreg:$0x2] =	wrdreg s24  }
0xaf: {  	[dreg:$0x3] =	wrdreg s2  }
0xb0: {  	[dreg:$0x4] =	wrdreg $0x9  }
0xb1: {  	_ =	task.clear_ibuf [dreg:s7], $0x5FFFF;
	_ =	strace $0x90000046  }
0xb2: {  	s29 =	simm.s32 $0x9;
	_ =	strace $0x80000048  }
0xb3: {  	_ =	swait.ge [sflag:s29], $0x1  }
0xb4: {  	[sflag:s29] =	ssyncadd.s32 $0xFFFFFFFF  }
0xb5: {  	_ =	strace $0x90000048  }
0xb6: {  	_ =	sfence  }
0xb7: {  	s30 =	sld [smem:$0x0];
	_ =	sdelay $0x2  }
0xb8: {  	s31 =	sshll.u32 s1, $0xD;
	s1 =	sshrl.u32 s1, $0x2  }
0xb9: {  	s3 =	sand.u32 $0x4000, s31;
	s1 =	sadd.s32 s1, s30  }
0xba: {  	s0 =	sor.u32 s3, s0;
	s1 =	sshll.u32 s1, $0x11  }
0xbb: {  	s0 =	sor.u32 s1, s0  }
0xbc: {  	s0 =	sadd.s32 $0x8F2B, s0  }
0xbd: {  	[sflag:s0] =	ssyncadd.remote.s32 $0x1  }
0xbe: {  	_ =	sfence.sel $0xFFFF  }
0xbf: {  	[dreg:$0x0] =	wrdreg $0xFFFFFFFF;
	(pc) =	sbr.abs _section_cstart, $3  }
0xc0: {  	[dreg:$0x1] =	wrdreg $0xFFFFFFFF  }
0xc1: {  	_ =	task.clear_ibuf [dreg:s7], $0x2FFFF;
	_ =	strace $0x9FFFFFFF  }
0xc2: {  	(tm) =	ssettm $0x7FFFFFFF  }
0xc3: {  	_ =	shalt  }
tec
execute0_lowered:
.L_overlay_start_1:
0x0: {  	(tag) =	ssettag $0x1  }
0x1: {  	s1 =	rddreg [dreg:$0x0]  }
0x2: {  	s0 =	srdreg.scid;
	s4 =	rddreg [dreg:$0x1]  }
0x3: {  	s8 =	stileid.u32;
	s2 =	simm.s32 $0x0;
	s9 =	simm.s32 $0xC00  }
0x4: {  	s13 =	simm.s32 $0xD400;
	s14 =	simm.s32 $0xFC00;
	s15 =	simm.s32 $0x10400  }
0x5: {  	s16 =	simm.s32 $0x10C00;
	s17 =	simm.s32 $0x11400;
	s18 =	simm.s32 $0x11C00  }
0x6: {  	s19 =	simm.s32 $0x12400;
	s20 =	simm.s32 $0x12C00;
	s21 =	simm.s32 $0x13400  }
0x7: {  	s22 =	simm.s32 $0x13C00;
	s23 =	simm.s32 $0x14400;
	s24 =	simm.s32 $0x14C00  }
0x8: {  	s28 =	simm.s32 $0x16400;
	s29 =	simm.s32 $0x16C00;
	s30 =	simm.s32 $0x17400  }
0x9: {  	s31 =	simm.s32 $0x17C00;
	s11 =	simm.s32 $0x0;
	s0 =	sand.u32 $0x1, s0  }
0xa: {  	s3 =	sshll.u32 s0, $0x4;
	s5 =	ssub.s32 $0x2, s0;
	s0 =	smul.u32 $0x300000, s0  }
0xb: {  	[smem:$0x7FF] =	sst s2;
	s3 =	sor.u32 s8, s3;
	s8 =	smul.u32 $0x30000, s8  }
0xc: {  	_ =	strace $0x80000047;
	s7 =	sshrl.u32 s5, $0x1;
	s3 =	smul.u32 $0x180, s3  }
0xd: {  	s7 =	ssub.s32 s5, s7;
	s5 =	sadd.s32 $0x1100, s1;
	s0 =	sadd.s32 s0, s4  }
.Ltmp0:
0xe: {  	s4 =	simm.s32 $0xCC00;
	s26 =	smax.u32 s7, $0x1;
	(pc) =	sbr.rel .LBB2_1-.Ltmp0, $4  }
0xf: {  	s7 =	sadd.s32 s8, s0;
	s8 =	simm.s32 $0x3;
	s0 =	simm.s32 $0x18400  }
0x10: {  	v2 =	vlaneseq.u32;
	s6 =	sadd.s32 s3, s1;
	s3 =	sadd.s32 $0x1000, s1;
	[dreg:$0x4] =	wrdreg s26  }
0x11: {  	vm0 =	vmmov $0xffff;
	v1 =	vshrl.u32 v2, $0x3;
	s26 =	simm.s32 $0x15C00;
	s1 =	simm.s32 $0x1;
	s25 =	sadd.s32 $0x15000, s6  }
0x12: {  	v0 =	vand.u32 $0x7, v2;
	v2 =	vor.u32 $0x8, v2;
	v1 =	vmul.u32 $0x8, v1;
	s6 =	simm.s32 $0x2;
	[dreg:$0x3] =	wrdreg s25;
	s25 =	simm.s32 $0x15400  }
.LBB2_6:
0x13: {  	s11 =	rddreg [dreg:$0x5]  }
0x14: {  	s10 =	rddreg [dreg:$0x4];
	s11 =	sadd.s32 $0x1, s11  }
0x15: {  	p0 =	sne.s32 s11, s10  }
.Ltmp1:
0x16: {  	_ = 	snop;
	(pc) =	sbr.rel @!p0 .LBB2_7-.Ltmp1, $1  }
0x17: {  	_ =	sdelay $0x3  }
.LBB2_1:
0x18: {  	[dreg:$0x5] =	wrdreg s11  }
0x19: {  	s10 =	rddreg [dreg:$0x3]  }
0x1a: {  	[tilespmem:s2], [sflag:$0x3] =	stream.linear.gather [hbm4b:s10+s2], $0xC00, $0x38;
	[tilespmem:$0x18C00] =	vst v63  }
0x1b: {  	_ =	swait.ge [sflag:s8], $0xC00  }
0x1c: {  	[sflag:s8] =	ssyncset.done $0x0  }
0x1d: {  	[sflag:s8] =	ssyncadd.s32 $0xFFFFF400  }
0x1e: {  	v3 =	vld [tilespmem:$0x0];
	_ =	sdelay $0x4  }
0x1f: {  	v4 =	vshll.u32 v3, $0x2  }
0x20: {  	v3 =	vand.u32 $0x7, v3;
	v4 =	vand.u32 $0xFFFFFFE0, v4  }
0x21: {  	v3 =	vor.u32 v3, v4  }
0x22: {  	v4 =	vperm.xlane v3, v0;
	_ =	sdelay $0x1  }
0x23: {  	v4 =	vadd.s32 v1, v4;
	_ =	sdelay $0x1  }
0x24: {  	v3 =	vperm.xlane v3, v2;
	_ =	sdelay $0x1  }
0x25: {  	v3 =	vadd.s32 v1, v3  }
0x26: {  	[tilespmem:s9], [sflag:$0x1] =	stream.indirect_vreg.gather [hbm4b:s3+s2], $0x80, v4, vm0, $0xb8;
	[tilespmem:$0x18C00] =	vst v63  }
0x27: {  	s12 =	simm.s32 $0x1400  }
0x28: {  	[tilespmem:s12], [sflag:$0x1] =	stream.indirect_vreg.gather [hbm4b:s5+s2], $0x80, v4, vm0, $0xb8;
	[tilespmem:$0x18C00] =	vst v63  }
0x29: {  	s11 =	simm.s32 $0x1C00  }
0x2a: {  	[tilespmem:s11], [sflag:$0x1] =	stream.indirect_vreg.gather [hbm4b:s3+s2], $0x80, v3, vm0, $0xb8;
	[tilespmem:$0x18C00] =	vst v63  }
0x2b: {  	s12 =	simm.s32 $0x2400  }
0x2c: {  	[tilespmem:s12], [sflag:$0x1] =	stream.indirect_vreg.gather [hbm4b:s5+s2], $0x80, v3, vm0, $0xb8;
	[tilespmem:$0x18C00] =	vst v63  }
0x2d: {  	v3 =	vld [tilespmem:$0x10];
	_ =	sdelay $0x4  }
0x2e: {  	v53 =	vshll.u32 v3, $0x2  }
0x2f: {  	v3 =	vand.u32 $0x7, v3;
	v4 =	vand.u32 $0xFFFFFFE0, v53  }
0x30: {  	v3 =	vor.u32 v3, v4  }
0x31: {  	v4 =	vperm.xlane v3, v0;
	_ =	sdelay $0x1  }
0x32: {  	v4 =	vadd.s32 v1, v4;
	_ =	sdelay $0x1  }
0x33: {  	v3 =	vperm.xlane v3, v2;
	_ =	sdelay $0x1  }
0x34: {  	s11 =	simm.s32 $0x2C00;
	v3 =	vadd.s32 v1, v3  }
0x35: {  	[tilespmem:s11], [sflag:$0x1] =	stream.indirect_vreg.gather [hbm4b:s3+s2], $0x80, v4, vm0, $0xb8;
	[tilespmem:$0x18C00] =	vst v63  }
0x36: {  	s12 =	simm.s32 $0x3400  }
0x37: {  	[tilespmem:s12], [sflag:$0x1] =	stream.indirect_vreg.gather [hbm4b:s5+s2], $0x80, v4, vm0, $0xb8;
	[tilespmem:$0x18C00] =	vst v63  }
0x38: {  	s11 =	simm.s32 $0x3C00  }
0x39: {  	[tilespmem:s11], [sflag:$0x1] =	stream.indirect_vreg.gather [hbm4b:s3+s2], $0x80, v3, vm0, $0xb8;
	[tilespmem:$0x18C00] =	vst v63  }
0x3a: {  	s12 =	simm.s32 $0x4400  }
0x3b: {  	[tilespmem:s12], [sflag:$0x1] =	stream.indirect_vreg.gather [hbm4b:s5+s2], $0x80, v3, vm0, $0xb8;
	[tilespmem:$0x18C00] =	vst v63  }
0x3c: {  	v3 =	vld [tilespmem:$0x20];
	_ =	sdelay $0x4  }
0x3d: {  	v54 =	vshll.u32 v3, $0x2  }
0x3e: {  	v3 =	vand.u32 $0x7, v3;
	v4 =	vand.u32 $0xFFFFFFE0, v54  }
0x3f: {  	v3 =	vor.u32 v3, v4  }
0x40: {  	v4 =	vperm.xlane v3, v0;
	_ =	sdelay $0x1  }
0x41: {  	v4 =	vadd.s32 v1, v4;
	_ =	sdelay $0x1  }
0x42: {  	v3 =	vperm.xlane v3, v2;
	_ =	sdelay $0x1  }
0x43: {  	s11 =	simm.s32 $0x4C00;
	v3 =	vadd.s32 v1, v3  }
0x44: {  	[tilespmem:s11], [sflag:$0x1] =	stream.indirect_vreg.gather [hbm4b:s3+s2], $0x80, v4, vm0, $0xb8;
	[tilespmem:$0x18C00] =	vst v63  }
0x45: {  	s12 =	simm.s32 $0x5400  }
0x46: {  	[tilespmem:s12], [sflag:$0x1] =	stream.indirect_vreg.gather [hbm4b:s5+s2], $0x80, v4, vm0, $0xb8;
	[tilespmem:$0x18C00] =	vst v63  }
0x47: {  	s11 =	simm.s32 $0x5C00  }
0x48: {  	[tilespmem:s11], [sflag:$0x1] =	stream.indirect_vreg.gather [hbm4b:s3+s2], $0x80, v3, vm0, $0xb8;
	[tilespmem:$0x18C00] =	vst v63  }
0x49: {  	s12 =	simm.s32 $0x6400  }
0x4a: {  	[tilespmem:s12], [sflag:$0x1] =	stream.indirect_vreg.gather [hbm4b:s5+s2], $0x80, v3, vm0, $0xb8;
	[tilespmem:$0x18C00] =	vst v63  }
0x4b: {  	v3 =	vld [tilespmem:$0x30];
	_ =	sdelay $0x4  }
0x4c: {  	v55 =	vshll.u32 v3, $0x2  }
0x4d: {  	v3 =	vand.u32 $0x7, v3;
	v4 =	vand.u32 $0xFFFFFFE0, v55  }
0x4e: {  	v3 =	vor.u32 v3, v4  }
0x4f: {  	v4 =	vperm.xlane v3, v0;
	_ =	sdelay $0x1  }
0x50: {  	v4 =	vadd.s32 v1, v4;
	_ =	sdelay $0x1  }
0x51: {  	v3 =	vperm.xlane v3, v2;
	_ =	sdelay $0x1  }
0x52: {  	s11 =	simm.s32 $0x6C00;
	v3 =	vadd.s32 v1, v3  }
0x53: {  	[tilespmem:s11], [sflag:$0x1] =	stream.indirect_vreg.gather [hbm4b:s3+s2], $0x80, v4, vm0, $0xb8;
	[tilespmem:$0x18C00] =	vst v63  }
0x54: {  	s12 =	simm.s32 $0x7400  }
0x55: {  	[tilespmem:s12], [sflag:$0x1] =	stream.indirect_vreg.gather [hbm4b:s5+s2], $0x80, v4, vm0, $0xb8;
	[tilespmem:$0x18C00] =	vst v63  }
0x56: {  	s11 =	simm.s32 $0x7C00  }
0x57: {  	[tilespmem:s11], [sflag:$0x1] =	stream.indirect_vreg.gather [hbm4b:s3+s2], $0x80, v3, vm0, $0xb8;
	[tilespmem:$0x18C00] =	vst v63  }
0x58: {  	s12 =	simm.s32 $0x8400  }
0x59: {  	[tilespmem:s12], [sflag:$0x1] =	stream.indirect_vreg.gather [hbm4b:s5+s2], $0x80, v3, vm0, $0xb8;
	[tilespmem:$0x18C00] =	vst v63  }
0x5a: {  	v3 =	vld [tilespmem:$0x40];
	_ =	sdelay $0x4  }
0x5b: {  	v56 =	vshll.u32 v3, $0x2  }
0x5c: {  	v3 =	vand.u32 $0x7, v3;
	v4 =	vand.u32 $0xFFFFFFE0, v56  }
0x5d: {  	v3 =	vor.u32 v3, v4  }
0x5e: {  	v4 =	vperm.xlane v3, v0;
	_ =	sdelay $0x1  }
0x5f: {  	v4 =	vadd.s32 v1, v4;
	_ =	sdelay $0x1  }
0x60: {  	v3 =	vperm.xlane v3, v2;
	_ =	sdelay $0x1  }
0x61: {  	s11 =	simm.s32 $0x8C00;
	v3 =	vadd.s32 v1, v3  }
0x62: {  	[tilespmem:s11], [sflag:$0x1] =	stream.indirect_vreg.gather [hbm4b:s3+s2], $0x80, v4, vm0, $0xb8;
	[tilespmem:$0x18C00] =	vst v63  }
0x63: {  	s12 =	simm.s32 $0x9400  }
0x64: {  	[tilespmem:s12], [sflag:$0x1] =	stream.indirect_vreg.gather [hbm4b:s5+s2], $0x80, v4, vm0, $0xb8;
	[tilespmem:$0x18C00] =	vst v63  }
0x65: {  	s11 =	simm.s32 $0x9C00  }
0x66: {  	[tilespmem:s11], [sflag:$0x1] =	stream.indirect_vreg.gather [hbm4b:s3+s2], $0x80, v3, vm0, $0xb8;
	[tilespmem:$0x18C00] =	vst v63  }
0x67: {  	s12 =	simm.s32 $0xA400  }
0x68: {  	[tilespmem:s12], [sflag:$0x1] =	stream.indirect_vreg.gather [hbm4b:s5+s2], $0x80, v3, vm0, $0xb8;
	[tilespmem:$0x18C00] =	vst v63  }
0x69: {  	v3 =	vld [tilespmem:$0x50];
	_ =	sdelay $0x4  }
0x6a: {  	v57 =	vshll.u32 v3, $0x2  }
0x6b: {  	v3 =	vand.u32 $0x7, v3;
	v4 =	vand.u32 $0xFFFFFFE0, v57  }
0x6c: {  	v3 =	vor.u32 v3, v4  }
0x6d: {  	v4 =	vperm.xlane v3, v0;
	_ =	sdelay $0x1  }
0x6e: {  	v4 =	vadd.s32 v1, v4;
	_ =	sdelay $0x1  }
0x6f: {  	v3 =	vperm.xlane v3, v2;
	_ =	sdelay $0x1  }
0x70: {  	s11 =	simm.s32 $0xAC00;
	v3 =	vadd.s32 v1, v3  }
0x71: {  	[tilespmem:s11], [sflag:$0x1] =	stream.indirect_vreg.gather [hbm4b:s3+s2], $0x80, v4, vm0, $0xb8;
	[tilespmem:$0x18C00] =	vst v63  }
0x72: {  	s12 =	simm.s32 $0xB400  }
0x73: {  	[tilespmem:s12], [sflag:$0x1] =	stream.indirect_vreg.gather [hbm4b:s5+s2], $0x80, v4, vm0, $0xb8;
	[tilespmem:$0x18C00] =	vst v63  }
0x74: {  	s11 =	simm.s32 $0xBC00  }
0x75: {  	[tilespmem:s11], [sflag:$0x1] =	stream.indirect_vreg.gather [hbm4b:s3+s2], $0x80, v3, vm0, $0xb8;
	[tilespmem:$0x18C00] =	vst v63  }
0x76: {  	s12 =	simm.s32 $0xC400  }
0x77: {  	[tilespmem:s12], [sflag:$0x1] =	stream.indirect_vreg.gather [hbm4b:s5+s2], $0x80, v3, vm0, $0xb8;
	[tilespmem:$0x18C00] =	vst v63  }
0x78: {  	v3 =	vld [tilespmem:$0x60];
	_ =	sdelay $0x4  }
0x79: {  	v58 =	vshll.u32 v3, $0x2  }
0x7a: {  	v3 =	vand.u32 $0x7, v3;
	v4 =	vand.u32 $0xFFFFFFE0, v58  }
0x7b: {  	v3 =	vor.u32 v3, v4  }
0x7c: {  	v4 =	vperm.xlane v3, v0;
	_ =	sdelay $0x1  }
0x7d: {  	v4 =	vadd.s32 v1, v4;
	_ =	sdelay $0x1  }
0x7e: {  	v3 =	vperm.xlane v3, v2;
	_ =	sdelay $0x1  }
0x7f: {  	v3 =	vadd.s32 v1, v3  }
0x80: {  	[tilespmem:s4], [sflag:$0x2] =	stream.indirect_vreg.gather [hbm4b:s3+s2], $0x80, v4, vm0, $0xb8;
	[tilespmem:$0x18C00] =	vst v63  }
0x81: {  	_ = 	snop  }
0x82: {  	[tilespmem:s13], [sflag:$0x2] =	stream.indirect_vreg.gather [hbm4b:s5+s2], $0x80, v4, vm0, $0xb8;
	[tilespmem:$0x18C00] =	vst v63  }
0x83: {  	s11 =	simm.s32 $0xDC00  }
0x84: {  	[tilespmem:s11], [sflag:$0x2] =	stream.indirect_vreg.gather [hbm4b:s3+s2], $0x80, v3, vm0, $0xb8;
	[tilespmem:$0x18C00] =	vst v63  }
0x85: {  	s12 =	simm.s32 $0xE400  }
0x86: {  	[tilespmem:s12], [sflag:$0x2] =	stream.indirect_vreg.gather [hbm4b:s5+s2], $0x80, v3, vm0, $0xb8;
	[tilespmem:$0x18C00] =	vst v63  }
0x87: {  	v3 =	vld [tilespmem:$0x70];
	_ =	sdelay $0x4  }
0x88: {  	v59 =	vshll.u32 v3, $0x2  }
0x89: {  	v3 =	vand.u32 $0x7, v3;
	v4 =	vand.u32 $0xFFFFFFE0, v59  }
0x8a: {  	v3 =	vor.u32 v3, v4  }
0x8b: {  	v4 =	vperm.xlane v3, v0;
	_ =	sdelay $0x1  }
0x8c: {  	v4 =	vadd.s32 v1, v4;
	_ =	sdelay $0x1  }
0x8d: {  	v3 =	vperm.xlane v3, v2;
	_ =	sdelay $0x1  }
0x8e: {  	s11 =	simm.s32 $0xEC00;
	v3 =	vadd.s32 v1, v3  }
0x8f: {  	[tilespmem:s11], [sflag:$0x2] =	stream.indirect_vreg.gather [hbm4b:s3+s2], $0x80, v4, vm0, $0xb8;
	[tilespmem:$0x18C00] =	vst v63  }
0x90: {  	s12 =	simm.s32 $0xF400  }
0x91: {  	[tilespmem:s12], [sflag:$0x2] =	stream.indirect_vreg.gather [hbm4b:s5+s2], $0x80, v4, vm0, $0xb8;
	[tilespmem:$0x18C00] =	vst v63  }
0x92: {  	_ = 	snop  }
0x93: {  	[tilespmem:s14], [sflag:$0x2] =	stream.indirect_vreg.gather [hbm4b:s3+s2], $0x80, v3, vm0, $0xb8;
	[tilespmem:$0x18C00] =	vst v63  }
0x94: {  	_ = 	snop  }
0x95: {  	[tilespmem:s15], [sflag:$0x2] =	stream.indirect_vreg.gather [hbm4b:s5+s2], $0x80, v3, vm0, $0xb8;
	[tilespmem:$0x18C00] =	vst v63  }
0x96: {  	v3 =	vld [tilespmem:$0x80];
	_ =	sdelay $0x4  }
0x97: {  	v60 =	vshll.u32 v3, $0x2  }
0x98: {  	v3 =	vand.u32 $0x7, v3;
	v4 =	vand.u32 $0xFFFFFFE0, v60  }
0x99: {  	v3 =	vor.u32 v3, v4  }
0x9a: {  	v4 =	vperm.xlane v3, v0;
	_ =	sdelay $0x1  }
0x9b: {  	v4 =	vadd.s32 v1, v4;
	_ =	sdelay $0x1  }
0x9c: {  	v3 =	vperm.xlane v3, v2;
	_ =	sdelay $0x1  }
0x9d: {  	v3 =	vadd.s32 v1, v3  }
0x9e: {  	[tilespmem:s16], [sflag:$0x2] =	stream.indirect_vreg.gather [hbm4b:s3+s2], $0x80, v4, vm0, $0xb8;
	[tilespmem:$0x18C00] =	vst v63  }
0x9f: {  	_ = 	snop  }
0xa0: {  	[tilespmem:s17], [sflag:$0x2] =	stream.indirect_vreg.gather [hbm4b:s5+s2], $0x80, v4, vm0, $0xb8;
	[tilespmem:$0x18C00] =	vst v63  }
0xa1: {  	_ = 	snop  }
0xa2: {  	[tilespmem:s18], [sflag:$0x2] =	stream.indirect_vreg.gather [hbm4b:s3+s2], $0x80, v3, vm0, $0xb8;
	[tilespmem:$0x18C00] =	vst v63  }
0xa3: {  	_ = 	snop  }
0xa4: {  	[tilespmem:s19], [sflag:$0x2] =	stream.indirect_vreg.gather [hbm4b:s5+s2], $0x80, v3, vm0, $0xb8;
	[tilespmem:$0x18C00] =	vst v63  }
0xa5: {  	v3 =	vld [tilespmem:$0x90];
	_ =	sdelay $0x4  }
0xa6: {  	v61 =	vshll.u32 v3, $0x2  }
0xa7: {  	v3 =	vand.u32 $0x7, v3;
	v4 =	vand.u32 $0xFFFFFFE0, v61  }
0xa8: {  	v3 =	vor.u32 v3, v4  }
0xa9: {  	v4 =	vperm.xlane v3, v0;
	_ =	sdelay $0x1  }
0xaa: {  	v4 =	vadd.s32 v1, v4;
	_ =	sdelay $0x1  }
0xab: {  	v3 =	vperm.xlane v3, v2;
	_ =	sdelay $0x1  }
0xac: {  	v3 =	vadd.s32 v1, v3  }
0xad: {  	[tilespmem:s20], [sflag:$0x2] =	stream.indirect_vreg.gather [hbm4b:s3+s2], $0x80, v4, vm0, $0xb8;
	[tilespmem:$0x18C00] =	vst v63  }
0xae: {  	_ = 	snop  }
0xaf: {  	[tilespmem:s21], [sflag:$0x2] =	stream.indirect_vreg.gather [hbm4b:s5+s2], $0x80, v4, vm0, $0xb8;
	[tilespmem:$0x18C00] =	vst v63  }
0xb0: {  	_ = 	snop  }
0xb1: {  	[tilespmem:s22], [sflag:$0x2] =	stream.indirect_vreg.gather [hbm4b:s3+s2], $0x80, v3, vm0, $0xb8;
	[tilespmem:$0x18C00] =	vst v63  }
0xb2: {  	_ = 	snop  }
0xb3: {  	[tilespmem:s23], [sflag:$0x2] =	stream.indirect_vreg.gather [hbm4b:s5+s2], $0x80, v3, vm0, $0xb8;
	[tilespmem:$0x18C00] =	vst v63  }
0xb4: {  	v3 =	vld [tilespmem:$0xA0];
	_ =	sdelay $0x4  }
0xb5: {  	v62 =	vshll.u32 v3, $0x2  }
0xb6: {  	v3 =	vand.u32 $0x7, v3;
	v4 =	vand.u32 $0xFFFFFFE0, v62  }
0xb7: {  	v3 =	vor.u32 v3, v4  }
0xb8: {  	v4 =	vperm.xlane v3, v0;
	_ =	sdelay $0x1  }
0xb9: {  	v4 =	vadd.s32 v1, v4;
	_ =	sdelay $0x1  }
0xba: {  	v3 =	vperm.xlane v3, v2;
	_ =	sdelay $0x1  }
0xbb: {  	v3 =	vadd.s32 v1, v3  }
0xbc: {  	[tilespmem:s24], [sflag:$0x2] =	stream.indirect_vreg.gather [hbm4b:s3+s2], $0x80, v4, vm0, $0xb8;
	[tilespmem:$0x18C00] =	vst v63  }
0xbd: {  	_ = 	snop  }
0xbe: {  	[tilespmem:s25], [sflag:$0x2] =	stream.indirect_vreg.gather [hbm4b:s5+s2], $0x80, v4, vm0, $0xb8;
	[tilespmem:$0x18C00] =	vst v63  }
0xbf: {  	_ = 	snop  }
0xc0: {  	[tilespmem:s26], [sflag:$0x2] =	stream.indirect_vreg.gather [hbm4b:s3+s2], $0x80, v3, vm0, $0xb8;
	[tilespmem:$0x18C00] =	vst v63  }
0xc1: {  	_ = 	snop  }
0xc2: {  	[tilespmem:s28], [sflag:$0x2] =	stream.indirect_vreg.gather [hbm4b:s5+s2], $0x80, v3, vm0, $0xb8;
	[tilespmem:$0x18C00] =	vst v63  }
0xc3: {  	v3 =	vld [tilespmem:$0xB0];
	_ =	sdelay $0x4  }
0xc4: {  	v63 =	vshll.u32 v3, $0x2  }
0xc5: {  	v3 =	vand.u32 $0x7, v3;
	v4 =	vand.u32 $0xFFFFFFE0, v63  }
0xc6: {  	v3 =	vor.u32 v3, v4  }
0xc7: {  	v4 =	vperm.xlane v3, v0;
	_ =	sdelay $0x1  }
0xc8: {  	v4 =	vadd.s32 v1, v4;
	_ =	sdelay $0x1  }
0xc9: {  	v3 =	vperm.xlane v3, v2;
	_ =	sdelay $0x1  }
0xca: {  	v3 =	vadd.s32 v1, v3  }
0xcb: {  	[tilespmem:s29], [sflag:$0x2] =	stream.indirect_vreg.gather [hbm4b:s3+s2], $0x80, v4, vm0, $0xb8;
	[tilespmem:$0x18C00] =	vst v63  }
0xcc: {  	_ = 	snop  }
0xcd: {  	[tilespmem:s30], [sflag:$0x2] =	stream.indirect_vreg.gather [hbm4b:s5+s2], $0x80, v4, vm0, $0xb8;
	[tilespmem:$0x18C00] =	vst v63  }
0xce: {  	_ = 	snop  }
0xcf: {  	[tilespmem:s31], [sflag:$0x2] =	stream.indirect_vreg.gather [hbm4b:s3+s2], $0x80, v3, vm0, $0xb8;
	[tilespmem:$0x18C00] =	vst v63  }
0xd0: {  	s10 =	simm.s32 $0x170;
	s11 =	simm.s32 $0x0  }
0xd1: {  	[tilespmem:s0], [sflag:$0x2] =	stream.indirect_vreg.gather [hbm4b:s5+s2], $0x80, v3, vm0, $0xb8;
	[tilespmem:$0x18C00] =	vst v63  }
.LBB2_2:
0xd2: {  	_ =	swait.ge [sflag:s1], $0xC000  }
0xd3: {  	p0 =	seq.s32 s11, $0x2D000;
	[sflag:s1] =	ssyncset.done $0x0  }
.Ltmp2:
0xd4: {  	s12 =	sadd.s32 s11, s7;
	[sflag:s1] =	ssyncadd.s32 $0xFFFF4000;
	(pc) =	sbr.rel @p0 .LBB2_4-.Ltmp2, $4  }
0xd5: {  	[hbm4b:s12+s2] =	stream.linear.scatter [tilespmem:s9], [sflag:$0x3], $0xC000, $0x38;
	[tilespmem:$0x18C00] =	vst v63  }
0xd6: {  	_ =	swait.ge [sflag:s8], $0xC000  }
0xd7: {  	[sflag:s8] =	ssyncset.done $0x0  }
0xd8: {  	[sflag:s8] =	ssyncadd.s32 $0xFFFF4000  }
0xd9: {  	v3 =	vld [tilespmem:s10+$0xFFFFFF50];
	_ =	sdelay $0x4  }
0xda: {  	v4 =	vshll.u32 v3, $0x2  }
0xdb: {  	v3 =	vand.u32 $0x7, v3;
	v4 =	vand.u32 $0xFFFFFFE0, v4  }
0xdc: {  	v3 =	vor.u32 v3, v4  }
0xdd: {  	v4 =	vperm.xlane v3, v0;
	_ =	sdelay $0x1  }
0xde: {  	v4 =	vadd.s32 v1, v4;
	_ =	sdelay $0x1  }
0xdf: {  	v3 =	vperm.xlane v3, v2;
	_ =	sdelay $0x1  }
0xe0: {  	v3 =	vadd.s32 v1, v3  }
0xe1: {  	[tilespmem:s9], [sflag:$0x1] =	stream.indirect_vreg.gather [hbm4b:s3+s2], $0x80, v4, vm0, $0xb8;
	[tilespmem:$0x18C00] =	vst v63  }
0xe2: {  	s13 =	simm.s32 $0x1400  }
0xe3: {  	[tilespmem:s13], [sflag:$0x1] =	stream.indirect_vreg.gather [hbm4b:s5+s2], $0x80, v4, vm0, $0xb8;
	[tilespmem:$0x18C00] =	vst v63  }
0xe4: {  	s13 =	simm.s32 $0x1C00  }
0xe5: {  	[tilespmem:s13], [sflag:$0x1] =	stream.indirect_vreg.gather [hbm4b:s3+s2], $0x80, v3, vm0, $0xb8;
	[tilespmem:$0x18C00] =	vst v63  }
0xe6: {  	s13 =	simm.s32 $0x2400  }
0xe7: {  	[tilespmem:s13], [sflag:$0x1] =	stream.indirect_vreg.gather [hbm4b:s5+s2], $0x80, v3, vm0, $0xb8;
	[tilespmem:$0x18C00] =	vst v63  }
0xe8: {  	v3 =	vld [tilespmem:s10+$0xFFFFFF60];
	_ =	sdelay $0x4  }
0xe9: {  	v59 =	vshll.u32 v3, $0x2  }
0xea: {  	v3 =	vand.u32 $0x7, v3;
	v4 =	vand.u32 $0xFFFFFFE0, v59  }
0xeb: {  	v3 =	vor.u32 v3, v4  }
0xec: {  	v4 =	vperm.xlane v3, v0;
	_ =	sdelay $0x1  }
0xed: {  	v4 =	vadd.s32 v1, v4;
	_ =	sdelay $0x1  }
0xee: {  	v3 =	vperm.xlane v3, v2;
	_ =	sdelay $0x1  }
0xef: {  	s13 =	simm.s32 $0x2C00;
	v3 =	vadd.s32 v1, v3  }
0xf0: {  	[tilespmem:s13], [sflag:$0x1] =	stream.indirect_vreg.gather [hbm4b:s3+s2], $0x80, v4, vm0, $0xb8;
	[tilespmem:$0x18C00] =	vst v63  }
0xf1: {  	s13 =	simm.s32 $0x3400  }
0xf2: {  	[tilespmem:s13], [sflag:$0x1] =	stream.indirect_vreg.gather [hbm4b:s5+s2], $0x80, v4, vm0, $0xb8;
	[tilespmem:$0x18C00] =	vst v63  }
0xf3: {  	s13 =	simm.s32 $0x3C00  }
0xf4: {  	[tilespmem:s13], [sflag:$0x1] =	stream.indirect_vreg.gather [hbm4b:s3+s2], $0x80, v3, vm0, $0xb8;
	[tilespmem:$0x18C00] =	vst v63  }
0xf5: {  	s13 =	simm.s32 $0x4400  }
0xf6: {  	[tilespmem:s13], [sflag:$0x1] =	stream.indirect_vreg.gather [hbm4b:s5+s2], $0x80, v3, vm0, $0xb8;
	[tilespmem:$0x18C00] =	vst v63  }
0xf7: {  	v3 =	vld [tilespmem:s10+$0xFFFFFF70];
	_ =	sdelay $0x4  }
0xf8: {  	v60 =	vshll.u32 v3, $0x2  }
0xf9: {  	v3 =	vand.u32 $0x7, v3;
	v4 =	vand.u32 $0xFFFFFFE0, v60  }
0xfa: {  	v3 =	vor.u32 v3, v4  }
0xfb: {  	v4 =	vperm.xlane v3, v0;
	_ =	sdelay $0x1  }
0xfc: {  	v4 =	vadd.s32 v1, v4;
	_ =	sdelay $0x1  }
0xfd: {  	v3 =	vperm.xlane v3, v2;
	_ =	sdelay $0x1  }
0xfe: {  	s13 =	simm.s32 $0x4C00;
	v3 =	vadd.s32 v1, v3  }
0xff: {  	[tilespmem:s13], [sflag:$0x1] =	stream.indirect_vreg.gather [hbm4b:s3+s2], $0x80, v4, vm0, $0xb8;
	[tilespmem:$0x18C00] =	vst v63  }
0x100: {  	s13 =	simm.s32 $0x5400  }
0x101: {  	[tilespmem:s13], [sflag:$0x1] =	stream.indirect_vreg.gather [hbm4b:s5+s2], $0x80, v4, vm0, $0xb8;
	[tilespmem:$0x18C00] =	vst v63  }
0x102: {  	s13 =	simm.s32 $0x5C00  }
0x103: {  	[tilespmem:s13], [sflag:$0x1] =	stream.indirect_vreg.gather [hbm4b:s3+s2], $0x80, v3, vm0, $0xb8;
	[tilespmem:$0x18C00] =	vst v63  }
0x104: {  	s13 =	simm.s32 $0x6400  }
0x105: {  	[tilespmem:s13], [sflag:$0x1] =	stream.indirect_vreg.gather [hbm4b:s5+s2], $0x80, v3, vm0, $0xb8;
	[tilespmem:$0x18C00] =	vst v63  }
0x106: {  	v3 =	vld [tilespmem:s10+$0xFFFFFF80];
	_ =	sdelay $0x4  }
0x107: {  	v61 =	vshll.u32 v3, $0x2  }
0x108: {  	v3 =	vand.u32 $0x7, v3;
	v4 =	vand.u32 $0xFFFFFFE0, v61  }
0x109: {  	v3 =	vor.u32 v3, v4  }
0x10a: {  	v4 =	vperm.xlane v3, v0;
	_ =	sdelay $0x1  }
0x10b: {  	v4 =	vadd.s32 v1, v4;
	_ =	sdelay $0x1  }
0x10c: {  	v3 =	vperm.xlane v3, v2;
	_ =	sdelay $0x1  }
0x10d: {  	s13 =	simm.s32 $0x6C00;
	v3 =	vadd.s32 v1, v3  }
0x10e: {  	[tilespmem:s13], [sflag:$0x1] =	stream.indirect_vreg.gather [hbm4b:s3+s2], $0x80, v4, vm0, $0xb8;
	[tilespmem:$0x18C00] =	vst v63  }
0x10f: {  	s13 =	simm.s32 $0x7400  }
0x110: {  	[tilespmem:s13], [sflag:$0x1] =	stream.indirect_vreg.gather [hbm4b:s5+s2], $0x80, v4, vm0, $0xb8;
	[tilespmem:$0x18C00] =	vst v63  }
0x111: {  	s13 =	simm.s32 $0x7C00  }
0x112: {  	[tilespmem:s13], [sflag:$0x1] =	stream.indirect_vreg.gather [hbm4b:s3+s2], $0x80, v3, vm0, $0xb8;
	[tilespmem:$0x18C00] =	vst v63  }
0x113: {  	s13 =	simm.s32 $0x8400  }
0x114: {  	[tilespmem:s13], [sflag:$0x1] =	stream.indirect_vreg.gather [hbm4b:s5+s2], $0x80, v3, vm0, $0xb8;
	[tilespmem:$0x18C00] =	vst v63  }
0x115: {  	v3 =	vld [tilespmem:s10+$0xFFFFFF90];
	_ =	sdelay $0x4  }
0x116: {  	v62 =	vshll.u32 v3, $0x2  }
0x117: {  	v3 =	vand.u32 $0x7, v3;
	v4 =	vand.u32 $0xFFFFFFE0, v62  }
0x118: {  	v3 =	vor.u32 v3, v4  }
0x119: {  	v4 =	vperm.xlane v3, v0;
	_ =	sdelay $0x1  }
0x11a: {  	v4 =	vadd.s32 v1, v4;
	_ =	sdelay $0x1  }
0x11b: {  	v3 =	vperm.xlane v3, v2;
	_ =	sdelay $0x1  }
0x11c: {  	s13 =	simm.s32 $0x8C00;
	v3 =	vadd.s32 v1, v3  }
0x11d: {  	[tilespmem:s13], [sflag:$0x1] =	stream.indirect_vreg.gather [hbm4b:s3+s2], $0x80, v4, vm0, $0xb8;
	[tilespmem:$0x18C00] =	vst v63  }
0x11e: {  	s13 =	simm.s32 $0x9400  }
0x11f: {  	[tilespmem:s13], [sflag:$0x1] =	stream.indirect_vreg.gather [hbm4b:s5+s2], $0x80, v4, vm0, $0xb8;
	[tilespmem:$0x18C00] =	vst v63  }
0x120: {  	s13 =	simm.s32 $0x9C00  }
0x121: {  	[tilespmem:s13], [sflag:$0x1] =	stream.indirect_vreg.gather [hbm4b:s3+s2], $0x80, v3, vm0, $0xb8;
	[tilespmem:$0x18C00] =	vst v63  }
0x122: {  	s13 =	simm.s32 $0xA400  }
0x123: {  	[tilespmem:s13], [sflag:$0x1] =	stream.indirect_vreg.gather [hbm4b:s5+s2], $0x80, v3, vm0, $0xb8;
	[tilespmem:$0x18C00] =	vst v63  }
0x124: {  	v3 =	vld [tilespmem:s10+$0xFFFFFFA0];
	_ =	sdelay $0x4  }
0x125: {  	v63 =	vshll.u32 v3, $0x2  }
0x126: {  	v3 =	vand.u32 $0x7, v3;
	v4 =	vand.u32 $0xFFFFFFE0, v63  }
0x127: {  	v3 =	vor.u32 v3, v4  }
0x128: {  	v4 =	vperm.xlane v3, v0;
	_ =	sdelay $0x1  }
0x129: {  	v4 =	vadd.s32 v1, v4;
	_ =	sdelay $0x1  }
0x12a: {  	v3 =	vperm.xlane v3, v2;
	_ =	sdelay $0x1  }
0x12b: {  	s13 =	simm.s32 $0xAC00;
	v3 =	vadd.s32 v1, v3  }
0x12c: {  	[tilespmem:s13], [sflag:$0x1] =	stream.indirect_vreg.gather [hbm4b:s3+s2], $0x80, v4, vm0, $0xb8;
	[tilespmem:$0x18C00] =	vst v63  }
0x12d: {  	s13 =	simm.s32 $0xB400  }
0x12e: {  	[tilespmem:s13], [sflag:$0x1] =	stream.indirect_vreg.gather [hbm4b:s5+s2], $0x80, v4, vm0, $0xb8;
	[tilespmem:$0x18C00] =	vst v63  }
0x12f: {  	s13 =	simm.s32 $0xBC00  }
0x130: {  	[tilespmem:s13], [sflag:$0x1] =	stream.indirect_vreg.gather [hbm4b:s3+s2], $0x80, v3, vm0, $0xb8;
	[tilespmem:$0x18C00] =	vst v63  }
0x131: {  	s13 =	simm.s32 $0xC400  }
0x132: {  	[tilespmem:s13], [sflag:$0x1] =	stream.indirect_vreg.gather [hbm4b:s5+s2], $0x80, v3, vm0, $0xb8;
	[tilespmem:$0x18C00] =	vst v63  }
0x133: {  	s13 =	simm.s32 $0xD400  }
.LBB2_4:
0x134: {  	_ =	swait.ge [sflag:s6], $0xC000  }
0x135: {  	[sflag:s6] =	ssyncset.done $0x0  }
.Ltmp3:
0x136: {  	s12 =	sadd.s32 $0x1800, s12;
	[sflag:s6] =	ssyncadd.s32 $0xFFFF4000;
	(pc) =	sbr.rel @p0 .LBB2_6-.Ltmp3, $4  }
0x137: {  	[hbm4b:s12+s2] =	stream.linear.scatter [tilespmem:s4], [sflag:$0x3], $0xC000, $0x38;
	[tilespmem:$0x18C00] =	vst v63  }
0x138: {  	_ =	swait.ge [sflag:s8], $0xC000  }
0x139: {  	[sflag:s8] =	ssyncset.done $0x0  }
0x13a: {  	[sflag:s8] =	ssyncadd.s32 $0xFFFF4000  }
0x13b: {  	v3 =	vld [tilespmem:s10+$0xFFFFFFB0];
	_ =	sdelay $0x4  }
0x13c: {  	v4 =	vshll.u32 v3, $0x2  }
0x13d: {  	v3 =	vand.u32 $0x7, v3;
	v4 =	vand.u32 $0xFFFFFFE0, v4  }
0x13e: {  	v3 =	vor.u32 v3, v4  }
0x13f: {  	v4 =	vperm.xlane v3, v0;
	_ =	sdelay $0x1  }
0x140: {  	v4 =	vadd.s32 v1, v4;
	_ =	sdelay $0x1  }
0x141: {  	v3 =	vperm.xlane v3, v2;
	_ =	sdelay $0x1  }
0x142: {  	v3 =	vadd.s32 v1, v3  }
0x143: {  	[tilespmem:s4], [sflag:$0x2] =	stream.indirect_vreg.gather [hbm4b:s3+s2], $0x80, v4, vm0, $0xb8;
	[tilespmem:$0x18C00] =	vst v63  }
0x144: {  	_ = 	snop  }
0x145: {  	[tilespmem:s13], [sflag:$0x2] =	stream.indirect_vreg.gather [hbm4b:s5+s2], $0x80, v4, vm0, $0xb8;
	[tilespmem:$0x18C00] =	vst v63  }
0x146: {  	s12 =	simm.s32 $0xDC00  }
0x147: {  	[tilespmem:s12], [sflag:$0x2] =	stream.indirect_vreg.gather [hbm4b:s3+s2], $0x80, v3, vm0, $0xb8;
	[tilespmem:$0x18C00] =	vst v63  }
0x148: {  	s12 =	simm.s32 $0xE400  }
0x149: {  	[tilespmem:s12], [sflag:$0x2] =	stream.indirect_vreg.gather [hbm4b:s5+s2], $0x80, v3, vm0, $0xb8;
	[tilespmem:$0x18C00] =	vst v63  }
0x14a: {  	v3 =	vld [tilespmem:s10+$0xFFFFFFC0];
	_ =	sdelay $0x4  }
0x14b: {  	v59 =	vshll.u32 v3, $0x2  }
0x14c: {  	v3 =	vand.u32 $0x7, v3;
	v4 =	vand.u32 $0xFFFFFFE0, v59  }
0x14d: {  	v3 =	vor.u32 v3, v4  }
0x14e: {  	v4 =	vperm.xlane v3, v0;
	_ =	sdelay $0x1  }
0x14f: {  	v4 =	vadd.s32 v1, v4;
	_ =	sdelay $0x1  }
0x150: {  	v3 =	vperm.xlane v3, v2;
	_ =	sdelay $0x1  }
0x151: {  	s12 =	simm.s32 $0xEC00;
	v3 =	vadd.s32 v1, v3  }
0x152: {  	[tilespmem:s12], [sflag:$0x2] =	stream.indirect_vreg.gather [hbm4b:s3+s2], $0x80, v4, vm0, $0xb8;
	[tilespmem:$0x18C00] =	vst v63  }
0x153: {  	s12 =	simm.s32 $0xF400  }
0x154: {  	[tilespmem:s12], [sflag:$0x2] =	stream.indirect_vreg.gather [hbm4b:s5+s2], $0x80, v4, vm0, $0xb8;
	[tilespmem:$0x18C00] =	vst v63  }
0x155: {  	_ = 	snop  }
0x156: {  	[tilespmem:s14], [sflag:$0x2] =	stream.indirect_vreg.gather [hbm4b:s3+s2], $0x80, v3, vm0, $0xb8;
	[tilespmem:$0x18C00] =	vst v63  }
0x157: {  	_ = 	snop  }
0x158: {  	[tilespmem:s15], [sflag:$0x2] =	stream.indirect_vreg.gather [hbm4b:s5+s2], $0x80, v3, vm0, $0xb8;
	[tilespmem:$0x18C00] =	vst v63  }
0x159: {  	v3 =	vld [tilespmem:s10+$0xFFFFFFD0];
	_ =	sdelay $0x4  }
0x15a: {  	v60 =	vshll.u32 v3, $0x2  }
0x15b: {  	v3 =	vand.u32 $0x7, v3;
	v4 =	vand.u32 $0xFFFFFFE0, v60  }
0x15c: {  	v3 =	vor.u32 v3, v4  }
0x15d: {  	v4 =	vperm.xlane v3, v0;
	_ =	sdelay $0x1  }
0x15e: {  	v4 =	vadd.s32 v1, v4;
	_ =	sdelay $0x1  }
0x15f: {  	v3 =	vperm.xlane v3, v2;
	_ =	sdelay $0x1  }
0x160: {  	v3 =	vadd.s32 v1, v3  }
0x161: {  	[tilespmem:s16], [sflag:$0x2] =	stream.indirect_vreg.gather [hbm4b:s3+s2], $0x80, v4, vm0, $0xb8;
	[tilespmem:$0x18C00] =	vst v63  }
0x162: {  	_ = 	snop  }
0x163: {  	[tilespmem:s17], [sflag:$0x2] =	stream.indirect_vreg.gather [hbm4b:s5+s2], $0x80, v4, vm0, $0xb8;
	[tilespmem:$0x18C00] =	vst v63  }
0x164: {  	_ = 	snop  }
0x165: {  	[tilespmem:s18], [sflag:$0x2] =	stream.indirect_vreg.gather [hbm4b:s3+s2], $0x80, v3, vm0, $0xb8;
	[tilespmem:$0x18C00] =	vst v63  }
0x166: {  	_ = 	snop  }
0x167: {  	[tilespmem:s19], [sflag:$0x2] =	stream.indirect_vreg.gather [hbm4b:s5+s2], $0x80, v3, vm0, $0xb8;
	[tilespmem:$0x18C00] =	vst v63  }
0x168: {  	v3 =	vld [tilespmem:s10+$0xFFFFFFE0];
	_ =	sdelay $0x4  }
0x169: {  	v61 =	vshll.u32 v3, $0x2  }
0x16a: {  	v3 =	vand.u32 $0x7, v3;
	v4 =	vand.u32 $0xFFFFFFE0, v61  }
0x16b: {  	v3 =	vor.u32 v3, v4  }
0x16c: {  	v4 =	vperm.xlane v3, v0;
	_ =	sdelay $0x1  }
0x16d: {  	v4 =	vadd.s32 v1, v4;
	_ =	sdelay $0x1  }
0x16e: {  	v3 =	vperm.xlane v3, v2;
	_ =	sdelay $0x1  }
0x16f: {  	v3 =	vadd.s32 v1, v3  }
0x170: {  	[tilespmem:s20], [sflag:$0x2] =	stream.indirect_vreg.gather [hbm4b:s3+s2], $0x80, v4, vm0, $0xb8;
	[tilespmem:$0x18C00] =	vst v63  }
0x171: {  	_ = 	snop  }
0x172: {  	[tilespmem:s21], [sflag:$0x2] =	stream.indirect_vreg.gather [hbm4b:s5+s2], $0x80, v4, vm0, $0xb8;
	[tilespmem:$0x18C00] =	vst v63  }
0x173: {  	_ = 	snop  }
0x174: {  	[tilespmem:s22], [sflag:$0x2] =	stream.indirect_vreg.gather [hbm4b:s3+s2], $0x80, v3, vm0, $0xb8;
	[tilespmem:$0x18C00] =	vst v63  }
0x175: {  	_ = 	snop  }
0x176: {  	[tilespmem:s23], [sflag:$0x2] =	stream.indirect_vreg.gather [hbm4b:s5+s2], $0x80, v3, vm0, $0xb8;
	[tilespmem:$0x18C00] =	vst v63  }
0x177: {  	v3 =	vld [tilespmem:s10+$0xFFFFFFF0];
	_ =	sdelay $0x4  }
0x178: {  	v62 =	vshll.u32 v3, $0x2  }
0x179: {  	v3 =	vand.u32 $0x7, v3;
	v4 =	vand.u32 $0xFFFFFFE0, v62  }
0x17a: {  	v3 =	vor.u32 v3, v4  }
0x17b: {  	v4 =	vperm.xlane v3, v0;
	_ =	sdelay $0x1  }
0x17c: {  	v4 =	vadd.s32 v1, v4;
	_ =	sdelay $0x1  }
0x17d: {  	v3 =	vperm.xlane v3, v2;
	_ =	sdelay $0x1  }
0x17e: {  	v3 =	vadd.s32 v1, v3  }
0x17f: {  	[tilespmem:s24], [sflag:$0x2] =	stream.indirect_vreg.gather [hbm4b:s3+s2], $0x80, v4, vm0, $0xb8;
	[tilespmem:$0x18C00] =	vst v63  }
0x180: {  	_ = 	snop  }
0x181: {  	[tilespmem:s25], [sflag:$0x2] =	stream.indirect_vreg.gather [hbm4b:s5+s2], $0x80, v4, vm0, $0xb8;
	[tilespmem:$0x18C00] =	vst v63  }
0x182: {  	_ = 	snop  }
0x183: {  	[tilespmem:s26], [sflag:$0x2] =	stream.indirect_vreg.gather [hbm4b:s3+s2], $0x80, v3, vm0, $0xb8;
	[tilespmem:$0x18C00] =	vst v63  }
0x184: {  	_ = 	snop  }
0x185: {  	[tilespmem:s28], [sflag:$0x2] =	stream.indirect_vreg.gather [hbm4b:s5+s2], $0x80, v3, vm0, $0xb8;
	[tilespmem:$0x18C00] =	vst v63  }
0x186: {  	v3 =	vld [tilespmem:s10+$0x0];
	_ =	sdelay $0x4  }
0x187: {  	v63 =	vshll.u32 v3, $0x2  }
0x188: {  	v3 =	vand.u32 $0x7, v3;
	v4 =	vand.u32 $0xFFFFFFE0, v63  }
0x189: {  	v3 =	vor.u32 v3, v4  }
0x18a: {  	v4 =	vperm.xlane v3, v0;
	_ =	sdelay $0x1  }
0x18b: {  	v4 =	vadd.s32 v1, v4;
	_ =	sdelay $0x2  }
0x18c: {  	v3 =	vperm.xlane v3, v2;
	_ =	sdelay $0x1  }
0x18d: {  	v3 =	vadd.s32 v1, v3;
	[tilespmem:s29], [sflag:$0x2] =	stream.indirect_vreg.gather [hbm4b:s3+s2], $0x80, v4, vm0, $0xb8;
	[tilespmem:$0x18C00] =	vst v63  }
0x18e: {  	_ = 	snop  }
0x18f: {  	[tilespmem:s30], [sflag:$0x2] =	stream.indirect_vreg.gather [hbm4b:s5+s2], $0x80, v4, vm0, $0xb8;
	[tilespmem:$0x18C00] =	vst v63  }
.Ltmp4:
0x190: {  	_ = 	snop;
	(pc) =	sbr.rel .LBB2_2-.Ltmp4, $4  }
0x191: {  	_ = 	snop  }
0x192: {  	[tilespmem:s31], [sflag:$0x2] =	stream.indirect_vreg.gather [hbm4b:s3+s2], $0x80, v3, vm0, $0xb8;
	[tilespmem:$0x18C00] =	vst v63  }
0x193: {  	s11 =	sadd.s32 $0x3000, s11;
	s10 =	sadd.s32 $0xC0, s10  }
0x194: {  	[tilespmem:s0], [sflag:$0x2] =	stream.indirect_vreg.gather [hbm4b:s5+s2], $0x80, v3, vm0, $0xb8;
	[tilespmem:$0x18C00] =	vst v63  }
.LBB2_7:
0x195: {  	_ =	sfence.sel $0x180000  }
0x196: {  	[bflag:$0x0] =	sbarrier.arrive $0xFFFF  }
0x197: {  	_ =	strace $0x90000047  }
0x198: {  	s0 =	stileid.u32;
	[bflag:$0x2] =	sbarrier.arrive $0xFFFF  }
0x199: {  	p0 =	sne.s32 s0, $0x0;
	s0 =	rddreg [dreg:$0x2]  }
0x19a: {  	s0 =	sadd.s32 @!p0 $0x100000, s0  }
0x19b: {  	[sflag:s0] =	ssyncadd.tile.s32 @!p0 $0x1;
	_ =	shalt  }
.Lfunc_end2:
_tile_overlayer_lowered:
.L_overlay_start_2:
0x19c: {  	(tag) =	ssettag $0x2  }
0x19d: {  	s0 =	rddreg [dreg:$0x0];
	s2 =	stileid.u32  }
0x19e: {  	s1 =	rddreg [dreg:$0x1];
	p0 =	sne.s32 s2, $0x0  }
0x19f: {  	s3 =	rddreg [dreg:$0x2];
	[bflag:$0x3] =	sbarrier.arrive $0xFFFF;
	s2 =	simm.s32 @!p0 $0x1C03  }
0x1a0: {  	[timem:s3], [sflag:s2] =	dma.local @!p0 [hbm:s0], s1  }
0x1a1: {  	s0 =	simm.s32 @!p0 $0x3  }
0x1a2: {  	_ =	swait.ge @!p0 [sflag:s0], s1  }
0x1a3: {  	s1 =	ssub.s32 @!p0 $0x0, s1;
	[sflag:s0] =	ssyncset.done @!p0 $0x0  }
0x1a4: {  	[sflag:s0] =	ssyncadd.s32 @!p0 s1  }
0x1a5: {  	[bflag:$0x3] =	sbarrier.arrive $0xFFFF  }
0x1a6: {  	_ =	shalt  }

</sc_bundles>
